<compile_context>
chip_gen: v7x
topology: tpu7x:2x2x1
jax: 0.10.2.dev20260603
libtpu: 0.0.44.dev20260713+nightly
codegen_flags: <defaults>
</compile_context>

<pallas_src>
import functools

import jax
import jax.numpy as jnp
from jax import lax
from jax.experimental import pallas as pl
from jax.experimental.pallas import tpu as pltpu
from jax.experimental.pallas import tpu_sc as plsc

_NC = 2
_NS = 16
_NW = _NC * _NS


def kernel(cqt, pos_cqt, channel_idx):
    B, C, F, T = cqt.shape
    idx32 = channel_idx.astype(jnp.int32)
    b_per_w = B // _NW
    n_slabs = b_per_w * C

    mesh = plsc.VectorSubcoreMesh(core_axis_name="c", subcore_axis_name="s")

    @functools.partial(
        pl.kernel,
        out_type=jax.ShapeDtypeStruct(cqt.shape, cqt.dtype),
        mesh=mesh,
        scratch_types=[
            pltpu.MemorySpace.VMEM((B + 16,), jnp.int32),
            pltpu.MemorySpace.VMEM((F, T), cqt.dtype),
            pltpu.MemorySpace.VMEM((F, T), cqt.dtype),
            pltpu.SemaphoreType.DMA,
            pltpu.SemaphoreType.DMA,
            pltpu.SemaphoreType.DMA,
            pltpu.SemaphoreType.DMA,
        ],
    )
    def k(cqt_hbm, pos_hbm, idx_hbm, out_hbm, idx_v, buf0, buf1, g0, g1, s0, s1):
        wid = lax.axis_index("s") * _NC + lax.axis_index("c")
        pltpu.sync_copy(idx_hbm, idx_v.at[pl.ds(0, B)])
        vec = idx_v[pl.ds(wid * b_per_w, 16)]
        bufs = (buf0, buf1)
        gsems = (g0, g1)
        ssems = (s0, s1)

        def bc(i):
            return wid * b_per_w + i // C, i % C

        def gather_start(i):
            b, c = bc(i)
            sel = vec[i // C]
            buf, sem = bufs[i % 2], gsems[i % 2]

            @pl.when(sel == c)
            def _():
                pltpu.make_async_copy(pos_hbm.at[b, c], buf, sem).start()

            @pl.when(sel != c)
            def _():
                pltpu.make_async_copy(cqt_hbm.at[b, c], buf, sem).start()

        def gather_wait(i):
            b, c = bc(i)
            pltpu.make_async_copy(cqt_hbm.at[b, c], bufs[i % 2], gsems[i % 2]).wait()

        def scatter_start(i):
            b, c = bc(i)
            pltpu.make_async_copy(bufs[i % 2], out_hbm.at[b, c], ssems[i % 2]).start()

        def scatter_wait(i):
            b, c = bc(i)
            pltpu.make_async_copy(bufs[i % 2], out_hbm.at[b, c], ssems[i % 2]).wait()

        gather_start(0)
        for i in range(n_slabs):
            gather_wait(i)
            scatter_start(i)
            if i + 1 < n_slabs:
                if i >= 1:
                    scatter_wait(i - 1)
                gather_start(i + 1)
        scatter_wait(n_slabs - 2)
        scatter_wait(n_slabs - 1)

    return k(cqt, pos_cqt, idx32)

# --- scband reference (transcript-rebuilt; emitter-appended) ---
"""Pipeline reference for scband-cover-to-random-channel-38122129719689 (READ-ONLY COPY).

The authoritative reference and input builder live on the scoring server;
editing this copy changes nothing except your own understanding.
"""

import jax, jax.numpy as jnp
import numpy as np


def setup_inputs(seed: int = 0) -> dict:
    key = jax.random.key(seed)
    k1, k2, k3 = jax.random.split(key, 3)
    B, C, F, T = 128, 4, 84, 400
    cqt = jax.random.normal(k1, (B, C, F, T), dtype=jnp.float32)
    pos_cqt = jax.random.normal(k2, (B, C, F, T), dtype=jnp.float32)
    channel_idx = jax.random.randint(k3, (B,), 0, 4, dtype=jnp.int64) if jax.config.jax_enable_x64 else jax.random.randint(k3, (B,), 0, 4, dtype=jnp.int32)
    return {"cqt": cqt, "pos_cqt": pos_cqt, "channel_idx": channel_idx}


def reference(cqt, pos_cqt, channel_idx):
    # Faithful translation of CoverToRandomChannel.forward:
    #   batch['cqt'][batch_indices, random_channel_indices] = batch['pos_cqt'][batch_indices, random_channel_indices]
    # The torch module draws random channel indices inside forward; here they are
    # provided as a deterministic int input (same distribution: Uniform{0..num_channels-1}).
    batch_indices = jnp.arange(cqt.shape[0])
    gathered = pos_cqt[batch_indices, channel_idx]  # [B, F, T] gather per (batch, channel)
    new_cqt = cqt.at[batch_indices, channel_idx].set(gathered)  # scatter-overwrite
    return new_cqt

if __name__ == "__main__":
    import jax
    _d = setup_inputs()
    print(jax.jit(kernel)(*tuple(_d.values())))

</pallas_src>

<mosaic_0001>
#map = affine_map<(d0, d1) -> (0, 0, 0, 0)>
#map1 = affine_map<(d0, d1) -> (0)>
module attributes {stable_mosaic.version = 14 : i64} {
  func.func @k(%arg0: i32, %arg1: i32, %arg2: memref<128x4x84x400xf32, #tpu.memory_space<hbm>>, %arg3: memref<128x4x84x400xf32, #tpu.memory_space<hbm>>, %arg4: memref<128xi32, #tpu.memory_space<hbm>>, %arg5: memref<128x4x84x400xf32, #tpu.memory_space<hbm>>, %arg6: memref<144xi32, #tpu.memory_space<vmem>>, %arg7: memref<84x400xf32, #tpu.memory_space<vmem>>, %arg8: memref<84x400xf32, #tpu.memory_space<vmem>>, %arg9: memref<!tpu.dma_semaphore, #tpu.memory_space<semaphore_mem>>, %arg10: memref<!tpu.dma_semaphore, #tpu.memory_space<semaphore_mem>>, %arg11: memref<!tpu.dma_semaphore, #tpu.memory_space<semaphore_mem>>, %arg12: memref<!tpu.dma_semaphore, #tpu.memory_space<semaphore_mem>>) attributes {dimension_semantics = [#tpu.dimension_semantics<core_parallel>, #tpu.dimension_semantics<subcore_parallel>], iteration_bounds = array<i64: 2, 16>, scalar_prefetch = 0 : i64, scratch_operands = 7 : i64, tpu.core_type = #tpu.core_type<sc_vector_subcore>, window_params = [{transform_indices = #map}, {transform_indices = #map}, {transform_indices = #map1}, {transform_indices = #map}]} {
    %mul3A = arith.constant 2 : i32
    %mul3A_0 = arith.muli %arg1, %mul3A : i32
    %add3A = arith.addi %mul3A_0, %arg0 : i32
    "tpu.region"() ({
      %run_scoped3A = tpu.sem_alloc : memref<!tpu.dma_semaphore, #tpu.memory_space<semaphore_mem>>
      %dma_start3A_877 = arith.constant 0 : i32
      %dma_start3A_878 = tpu.memref_slice %arg6[%dma_start3A_877] : memref<144xi32, #tpu.memory_space<vmem>> -> memref<128xi32, #tpu.memory_space<vmem>>
      %dma_start3A_879 = arith.constant 0 : i32
      %dma_start3A_880 = tpu.memref_slice %arg6[%dma_start3A_879] : memref<144xi32, #tpu.memory_space<vmem>> -> memref<128xi32, #tpu.memory_space<vmem>>
      tpu.enqueue_dma source(%arg4 : memref<128xi32, #tpu.memory_space<hbm>>) target(%dma_start3A_880 : memref<128xi32, #tpu.memory_space<vmem>>) target_semaphore(%run_scoped3A : memref<!tpu.dma_semaphore, #tpu.memory_space<semaphore_mem>>)
      %dma_wait3A_881 = arith.constant 0 : i32
      %dma_wait3A_882 = tpu.memref_slice %arg6[%dma_wait3A_881] : memref<144xi32, #tpu.memory_space<vmem>> -> memref<128xi32, #tpu.memory_space<vmem>>
      %dma_wait3A_883 = arith.constant 0 : i32
      %dma_wait3A_884 = tpu.memref_slice %arg6[%dma_wait3A_883] : memref<144xi32, #tpu.memory_space<vmem>> -> memref<128xi32, #tpu.memory_space<vmem>>
      tpu.wait_dma2 semaphore(%run_scoped3A : memref<!tpu.dma_semaphore, #tpu.memory_space<semaphore_mem>>) src(%arg4 : memref<128xi32, #tpu.memory_space<hbm>>) dst(%dma_wait3A_884 : memref<128xi32, #tpu.memory_space<vmem>>)
      tpu.yield
    }) : () -> ()
    %mul3A_1 = arith.constant 4 : i32
    %mul3A_2 = arith.muli %add3A, %mul3A_1 : i32
    %get3A = arith.index_cast %mul3A_2 : i32 to index
    %get3A_3 = tpu.vector_load %arg6[%get3A] {strides = array<i32>} : memref<144xi32, #tpu.memory_space<vmem>>, vector<16xi32>,
    %get3A_4 = vector.shape_cast %get3A_3 : vector<16xi32> to vector<16xi32>
    %mul3A_5 = arith.constant 4 : i32
    %mul3A_6 = arith.muli %add3A, %mul3A_5 : i32
    %add3A_7 = arith.constant 0 : i32
    %add3A_8 = arith.addi %mul3A_6, %add3A_7 : i32
    %slice3A = vector.extract_strided_slice %get3A_4 {offsets = [0], sizes = [1], strides = [1]} : vector<16xi32> to vector<1xi32>
    %squeeze3A = vector.extract %slice3A[0] : i32 from vector<1xi32>
    %eq3A = arith.constant 0 : i32
    %eq3A_9 = arith.cmpi eq, %squeeze3A, %eq3A : i32
    %convert_element_type3A = arith.extui %eq3A_9 : i1 to i32
    %cond3A = arith.constant 0 : i32
    %cond3A_10 = arith.cmpi ne, %convert_element_type3A, %cond3A : i32
    scf.if %cond3A_10 {
      %dma_start3A_877 = arith.constant 0 : i32
      %dma_start3A_878 = arith.constant 0 : i32
      %dma_start3A_879 = arith.constant 0 : i32
      %dma_start3A_880 = tpu.memref_slice %arg3[%add3A_8, %dma_start3A_877, %dma_start3A_878, %dma_start3A_879] : memref<128x4x84x400xf32, #tpu.memory_space<hbm>> -> memref<1x1x84x400xf32, #tpu.memory_space<hbm>>
      %dma_start3A_881 = tpu.memref_squeeze %dma_start3A_880 : memref<1x1x84x400xf32, #tpu.memory_space<hbm>> -> memref<84x400xf32, #tpu.memory_space<hbm>>
      %dma_start3A_882 = arith.constant 0 : i32
      %dma_start3A_883 = arith.constant 0 : i32
      %dma_start3A_884 = tpu.memref_slice %arg3[%add3A_8, %dma_start3A_877, %dma_start3A_882, %dma_start3A_883] : memref<128x4x84x400xf32, #tpu.memory_space<hbm>> -> memref<1x1x84x400xf32, #tpu.memory_space<hbm>>
      %dma_start3A_885 = tpu.memref_squeeze %dma_start3A_884 : memref<1x1x84x400xf32, #tpu.memory_space<hbm>> -> memref<84x400xf32, #tpu.memory_space<hbm>>
      tpu.enqueue_dma source(%dma_start3A_885 : memref<84x400xf32, #tpu.memory_space<hbm>>) target(%arg7 : memref<84x400xf32, #tpu.memory_space<vmem>>) target_semaphore(%arg9 : memref<!tpu.dma_semaphore, #tpu.memory_space<semaphore_mem>>)
    } else {
    }
    %ne3A = arith.constant 0 : i32
    %ne3A_11 = arith.cmpi ne, %squeeze3A, %ne3A : i32
    %convert_element_type3A_12 = arith.extui %ne3A_11 : i1 to i32
    %cond3A_13 = arith.constant 0 : i32
    %cond3A_14 = arith.cmpi ne, %convert_element_type3A_12, %cond3A_13 : i32
    scf.if %cond3A_14 {
      %dma_start3A_877 = arith.constant 0 : i32
      %dma_start3A_878 = arith.constant 0 : i32
      %dma_start3A_879 = arith.constant 0 : i32
      %dma_start3A_880 = tpu.memref_slice %arg2[%add3A_8, %dma_start3A_877, %dma_start3A_878, %dma_start3A_879] : memref<128x4x84x400xf32, #tpu.memory_space<hbm>> -> memref<1x1x84x400xf32, #tpu.memory_space<hbm>>
      %dma_start3A_881 = tpu.memref_squeeze %dma_start3A_880 : memref<1x1x84x400xf32, #tpu.memory_space<hbm>> -> memref<84x400xf32, #tpu.memory_space<hbm>>
      %dma_start3A_882 = arith.constant 0 : i32
      %dma_start3A_883 = arith.constant 0 : i32
      %dma_start3A_884 = tpu.memref_slice %arg2[%add3A_8, %dma_start3A_877, %dma_start3A_882, %dma_start3A_883] : memref<128x4x84x400xf32, #tpu.memory_space<hbm>> -> memref<1x1x84x400xf32, #tpu.memory_space<hbm>>
      %dma_start3A_885 = tpu.memref_squeeze %dma_start3A_884 : memref<1x1x84x400xf32, #tpu.memory_space<hbm>> -> memref<84x400xf32, #tpu.memory_space<hbm>>
      tpu.enqueue_dma source(%dma_start3A_885 : memref<84x400xf32, #tpu.memory_space<hbm>>) target(%arg7 : memref<84x400xf32, #tpu.memory_space<vmem>>) target_semaphore(%arg9 : memref<!tpu.dma_semaphore, #tpu.memory_space<semaphore_mem>>)
    } else {
    }
    %mul3A_15 = arith.constant 4 : i32
    %mul3A_16 = arith.muli %add3A, %mul3A_15 : i32
    %add3A_17 = arith.constant 0 : i32
    %add3A_18 = arith.addi %mul3A_16, %add3A_17 : i32
    %dma_wait3A = arith.constant 0 : i32
    %dma_wait3A_19 = arith.constant 0 : i32
    %dma_wait3A_20 = arith.constant 0 : i32
    %dma_wait3A_21 = tpu.memref_slice %arg2[%add3A_18, %dma_wait3A, %dma_wait3A_19, %dma_wait3A_20] : memref<128x4x84x400xf32, #tpu.memory_space<hbm>> -> memref<1x1x84x400xf32, #tpu.memory_space<hbm>>
    %dma_wait3A_22 = tpu.memref_squeeze %dma_wait3A_21 : memref<1x1x84x400xf32, #tpu.memory_space<hbm>> -> memref<84x400xf32, #tpu.memory_space<hbm>>
    %dma_wait3A_23 = arith.constant 0 : i32
    %dma_wait3A_24 = arith.constant 0 : i32
    %dma_wait3A_25 = tpu.memref_slice %arg2[%add3A_18, %dma_wait3A, %dma_wait3A_23, %dma_wait3A_24] : memref<128x4x84x400xf32, #tpu.memory_space<hbm>> -> memref<1x1x84x400xf32, #tpu.memory_space<hbm>>
    %dma_wait3A_26 = tpu.memref_squeeze %dma_wait3A_25 : memref<1x1x84x400xf32, #tpu.memory_space<hbm>> -> memref<84x400xf32, #tpu.memory_space<hbm>>
    tpu.wait_dma2 semaphore(%arg9 : memref<!tpu.dma_semaphore, #tpu.memory_space<semaphore_mem>>) src(%dma_wait3A_26 : memref<84x400xf32, #tpu.memory_space<hbm>>) dst(%arg7 : memref<84x400xf32, #tpu.memory_space<vmem>>)
    %mul3A_27 = arith.constant 4 : i32
    %mul3A_28 = arith.muli %add3A, %mul3A_27 : i32
    %add3A_29 = arith.constant 0 : i32
    %add3A_30 = arith.addi %mul3A_28, %add3A_29 : i32
    %dma_start3A = arith.constant 0 : i32
    %dma_start3A_31 = arith.constant 0 : i32
    %dma_start3A_32 = arith.constant 0 : i32
    %dma_start3A_33 = tpu.memref_slice %arg5[%add3A_30, %dma_start3A, %dma_start3A_31, %dma_start3A_32] : memref<128x4x84x400xf32, #tpu.memory_space<hbm>> -> memref<1x1x84x400xf32, #tpu.memory_space<hbm>>
    %dma_start3A_34 = tpu.memref_squeeze %dma_start3A_33 : memref<1x1x84x400xf32, #tpu.memory_space<hbm>> -> memref<84x400xf32, #tpu.memory_space<hbm>>
    %dma_start3A_35 = arith.constant 0 : i32
    %dma_start3A_36 = arith.constant 0 : i32
    %dma_start3A_37 = tpu.memref_slice %arg5[%add3A_30, %dma_start3A, %dma_start3A_35, %dma_start3A_36] : memref<128x4x84x400xf32, #tpu.memory_space<hbm>> -> memref<1x1x84x400xf32, #tpu.memory_space<hbm>>
    %dma_start3A_38 = tpu.memref_squeeze %dma_start3A_37 : memref<1x1x84x400xf32, #tpu.memory_space<hbm>> -> memref<84x400xf32, #tpu.memory_space<hbm>>
    tpu.enqueue_dma source(%arg7 : memref<84x400xf32, #tpu.memory_space<vmem>>) target(%dma_start3A_38 : memref<84x400xf32, #tpu.memory_space<hbm>>) target_semaphore(%arg11 : memref<!tpu.dma_semaphore, #tpu.memory_space<semaphore_mem>>)
    %mul3A_39 = arith.constant 4 : i32
    %mul3A_40 = arith.muli %add3A, %mul3A_39 : i32
    %add3A_41 = arith.constant 0 : i32
    %add3A_42 = arith.addi %mul3A_40, %add3A_41 : i32
    %slice3A_43 = vector.extract_strided_slice %get3A_4 {offsets = [0], sizes = [1], strides = [1]} : vector<16xi32> to vector<1xi32>
    %squeeze3A_44 = vector.extract %slice3A_43[0] : i32 from vector<1xi32>
    %eq3A_45 = arith.constant 1 : i32
    %eq3A_46 = arith.cmpi eq, %squeeze3A_44, %eq3A_45 : i32
    %convert_element_type3A_47 = arith.extui %eq3A_46 : i1 to i32
    %cond3A_48 = arith.constant 0 : i32
    %cond3A_49 = arith.cmpi ne, %convert_element_type3A_47, %cond3A_48 : i32
    scf.if %cond3A_49 {
      %dma_start3A_877 = arith.constant 1 : i32
      %dma_start3A_878 = arith.constant 0 : i32
      %dma_start3A_879 = arith.constant 0 : i32
      %dma_start3A_880 = tpu.memref_slice %arg3[%add3A_42, %dma_start3A_877, %dma_start3A_878, %dma_start3A_879] : memref<128x4x84x400xf32, #tpu.memory_space<hbm>> -> memref<1x1x84x400xf32, #tpu.memory_space<hbm>>
      %dma_start3A_881 = tpu.memref_squeeze %dma_start3A_880 : memref<1x1x84x400xf32, #tpu.memory_space<hbm>> -> memref<84x400xf32, #tpu.memory_space<hbm>>
      %dma_start3A_882 = arith.constant 0 : i32
      %dma_start3A_883 = arith.constant 0 : i32
      %dma_start3A_884 = tpu.memref_slice %arg3[%add3A_42, %dma_start3A_877, %dma_start3A_882, %dma_start3A_883] : memref<128x4x84x400xf32, #tpu.memory_space<hbm>> -> memref<1x1x84x400xf32, #tpu.memory_space<hbm>>
      %dma_start3A_885 = tpu.memref_squeeze %dma_start3A_884 : memref<1x1x84x400xf32, #tpu.memory_space<hbm>> -> memref<84x400xf32, #tpu.memory_space<hbm>>
      tpu.enqueue_dma source(%dma_start3A_885 : memref<84x400xf32, #tpu.memory_space<hbm>>) target(%arg8 : memref<84x400xf32, #tpu.memory_space<vmem>>) target_semaphore(%arg10 : memref<!tpu.dma_semaphore, #tpu.memory_space<semaphore_mem>>)
    } else {
    }
    %ne3A_50 = arith.constant 1 : i32
    %ne3A_51 = arith.cmpi ne, %squeeze3A_44, %ne3A_50 : i32
    %convert_element_type3A_52 = arith.extui %ne3A_51 : i1 to i32
    %cond3A_53 = arith.constant 0 : i32
    %cond3A_54 = arith.cmpi ne, %convert_element_type3A_52, %cond3A_53 : i32
    scf.if %cond3A_54 {
      %dma_start3A_877 = arith.constant 1 : i32
      %dma_start3A_878 = arith.constant 0 : i32
      %dma_start3A_879 = arith.constant 0 : i32
      %dma_start3A_880 = tpu.memref_slice %arg2[%add3A_42, %dma_start3A_877, %dma_start3A_878, %dma_start3A_879] : memref<128x4x84x400xf32, #tpu.memory_space<hbm>> -> memref<1x1x84x400xf32, #tpu.memory_space<hbm>>
      %dma_start3A_881 = tpu.memref_squeeze %dma_start3A_880 : memref<1x1x84x400xf32, #tpu.memory_space<hbm>> -> memref<84x400xf32, #tpu.memory_space<hbm>>
      %dma_start3A_882 = arith.constant 0 : i32
      %dma_start3A_883 = arith.constant 0 : i32
      %dma_start3A_884 = tpu.memref_slice %arg2[%add3A_42, %dma_start3A_877, %dma_start3A_882, %dma_start3A_883] : memref<128x4x84x400xf32, #tpu.memory_space<hbm>> -> memref<1x1x84x400xf32, #tpu.memory_space<hbm>>
      %dma_start3A_885 = tpu.memref_squeeze %dma_start3A_884 : memref<1x1x84x400xf32, #tpu.memory_space<hbm>> -> memref<84x400xf32, #tpu.memory_space<hbm>>
      tpu.enqueue_dma source(%dma_start3A_885 : memref<84x400xf32, #tpu.memory_space<hbm>>) target(%arg8 : memref<84x400xf32, #tpu.memory_space<vmem>>) target_semaphore(%arg10 : memref<!tpu.dma_semaphore, #tpu.memory_space<semaphore_mem>>)
    } else {
    }
    %mul3A_55 = arith.constant 4 : i32
    %mul3A_56 = arith.muli %add3A, %mul3A_55 : i32
    %add3A_57 = arith.constant 0 : i32
    %add3A_58 = arith.addi %mul3A_56, %add3A_57 : i32
    %dma_wait3A_59 = arith.constant 1 : i32
    %dma_wait3A_60 = arith.constant 0 : i32
    %dma_wait3A_61 = arith.constant 0 : i32
    %dma_wait3A_62 = tpu.memref_slice %arg2[%add3A_58, %dma_wait3A_59, %dma_wait3A_60, %dma_wait3A_61] : memref<128x4x84x400xf32, #tpu.memory_space<hbm>> -> memref<1x1x84x400xf32, #tpu.memory_space<hbm>>
    %dma_wait3A_63 = tpu.memref_squeeze %dma_wait3A_62 : memref<1x1x84x400xf32, #tpu.memory_space<hbm>> -> memref<84x400xf32, #tpu.memory_space<hbm>>
    %dma_wait3A_64 = arith.constant 0 : i32
    %dma_wait3A_65 = arith.constant 0 : i32
    %dma_wait3A_66 = tpu.memref_slice %arg2[%add3A_58, %dma_wait3A_59, %dma_wait3A_64, %dma_wait3A_65] : memref<128x4x84x400xf32, #tpu.memory_space<hbm>> -> memref<1x1x84x400xf32, #tpu.memory_space<hbm>>
    %dma_wait3A_67 = tpu.memref_squeeze %dma_wait3A_66 : memref<1x1x84x400xf32, #tpu.memory_space<hbm>> -> memref<84x400xf32, #tpu.memory_space<hbm>>
    tpu.wait_dma2 semaphore(%arg10 : memref<!tpu.dma_semaphore, #tpu.memory_space<semaphore_mem>>) src(%dma_wait3A_67 : memref<84x400xf32, #tpu.memory_space<hbm>>) dst(%arg8 : memref<84x400xf32, #tpu.memory_space<vmem>>)
    %mul3A_68 = arith.constant 4 : i32
    %mul3A_69 = arith.muli %add3A, %mul3A_68 : i32
    %add3A_70 = arith.constant 0 : i32
    %add3A_71 = arith.addi %mul3A_69, %add3A_70 : i32
    %dma_start3A_72 = arith.constant 1 : i32
    %dma_start3A_73 = arith.constant 0 : i32
    %dma_start3A_74 = arith.constant 0 : i32
    %dma_start3A_75 = tpu.memref_slice %arg5[%add3A_71, %dma_start3A_72, %dma_start3A_73, %dma_start3A_74] : memref<128x4x84x400xf32, #tpu.memory_space<hbm>> -> memref<1x1x84x400xf32, #tpu.memory_space<hbm>>
    %dma_start3A_76 = tpu.memref_squeeze %dma_start3A_75 : memref<1x1x84x400xf32, #tpu.memory_space<hbm>> -> memref<84x400xf32, #tpu.memory_space<hbm>>
    %dma_start3A_77 = arith.constant 0 : i32
    %dma_start3A_78 = arith.constant 0 : i32
    %dma_start3A_79 = tpu.memref_slice %arg5[%add3A_71, %dma_start3A_72, %dma_start3A_77, %dma_start3A_78] : memref<128x4x84x400xf32, #tpu.memory_space<hbm>> -> memref<1x1x84x400xf32, #tpu.memory_space<hbm>>
    %dma_start3A_80 = tpu.memref_squeeze %dma_start3A_79 : memref<1x1x84x400xf32, #tpu.memory_space<hbm>> -> memref<84x400xf32, #tpu.memory_space<hbm>>
    tpu.enqueue_dma source(%arg8 : memref<84x400xf32, #tpu.memory_space<vmem>>) target(%dma_start3A_80 : memref<84x400xf32, #tpu.memory_space<hbm>>) target_semaphore(%arg12 : memref<!tpu.dma_semaphore, #tpu.memory_space<semaphore_mem>>)
    %mul3A_81 = arith.constant 4 : i32
    %mul3A_82 = arith.muli %add3A, %mul3A_81 : i32
    %add3A_83 = arith.constant 0 : i32
    %add3A_84 = arith.addi %mul3A_82, %add3A_83 : i32
    %dma_wait3A_85 = arith.constant 0 : i32
    %dma_wait3A_86 = arith.constant 0 : i32
    %dma_wait3A_87 = arith.constant 0 : i32
    %dma_wait3A_88 = tpu.memref_slice %arg5[%add3A_84, %dma_wait3A_85, %dma_wait3A_86, %dma_wait3A_87] : memref<128x4x84x400xf32, #tpu.memory_space<hbm>> -> memref<1x1x84x400xf32, #tpu.memory_space<hbm>>
    %dma_wait3A_89 = tpu.memref_squeeze %dma_wait3A_88 : memref<1x1x84x400xf32, #tpu.memory_space<hbm>> -> memref<84x400xf32, #tpu.memory_space<hbm>>
    %dma_wait3A_90 = arith.constant 0 : i32
    %dma_wait3A_91 = arith.constant 0 : i32
    %dma_wait3A_92 = tpu.memref_slice %arg5[%add3A_84, %dma_wait3A_85, %dma_wait3A_90, %dma_wait3A_91] : memref<128x4x84x400xf32, #tpu.memory_space<hbm>> -> memref<1x1x84x400xf32, #tpu.memory_space<hbm>>
    %dma_wait3A_93 = tpu.memref_squeeze %dma_wait3A_92 : memref<1x1x84x400xf32, #tpu.memory_space<hbm>> -> memref<84x400xf32, #tpu.memory_space<hbm>>
    tpu.wait_dma2 semaphore(%arg11 : memref<!tpu.dma_semaphore, #tpu.memory_space<semaphore_mem>>) src(%arg7 : memref<84x400xf32, #tpu.memory_space<vmem>>) dst(%dma_wait3A_93 : memref<84x400xf32, #tpu.memory_space<hbm>>)
    %mul3A_94 = arith.constant 4 : i32
    %mul3A_95 = arith.muli %add3A, %mul3A_94 : i32
    %add3A_96 = arith.constant 0 : i32
    %add3A_97 = arith.addi %mul3A_95, %add3A_96 : i32
    %slice3A_98 = vector.extract_strided_slice %get3A_4 {offsets = [0], sizes = [1], strides = [1]} : vector<16xi32> to vector<1xi32>
    %squeeze3A_99 = vector.extract %slice3A_98[0] : i32 from vector<1xi32>
    %eq3A_100 = arith.constant 2 : i32
    %eq3A_101 = arith.cmpi eq, %squeeze3A_99, %eq3A_100 : i32
    %convert_element_type3A_102 = arith.extui %eq3A_101 : i1 to i32
    %cond3A_103 = arith.constant 0 : i32
    %cond3A_104 = arith.cmpi ne, %convert_element_type3A_102, %cond3A_103 : i32
    scf.if %cond3A_104 {
      %dma_start3A_877 = arith.constant 2 : i32
      %dma_start3A_878 = arith.constant 0 : i32
      %dma_start3A_879 = arith.constant 0 : i32
      %dma_start3A_880 = tpu.memref_slice %arg3[%add3A_97, %dma_start3A_877, %dma_start3A_878, %dma_start3A_879] : memref<128x4x84x400xf32, #tpu.memory_space<hbm>> -> memref<1x1x84x400xf32, #tpu.memory_space<hbm>>
      %dma_start3A_881 = tpu.memref_squeeze %dma_start3A_880 : memref<1x1x84x400xf32, #tpu.memory_space<hbm>> -> memref<84x400xf32, #tpu.memory_space<hbm>>
      %dma_start3A_882 = arith.constant 0 : i32
      %dma_start3A_883 = arith.constant 0 : i32
      %dma_start3A_884 = tpu.memref_slice %arg3[%add3A_97, %dma_start3A_877, %dma_start3A_882, %dma_start3A_883] : memref<128x4x84x400xf32, #tpu.memory_space<hbm>> -> memref<1x1x84x400xf32, #tpu.memory_space<hbm>>
      %dma_start3A_885 = tpu.memref_squeeze %dma_start3A_884 : memref<1x1x84x400xf32, #tpu.memory_space<hbm>> -> memref<84x400xf32, #tpu.memory_space<hbm>>
      tpu.enqueue_dma source(%dma_start3A_885 : memref<84x400xf32, #tpu.memory_space<hbm>>) target(%arg7 : memref<84x400xf32, #tpu.memory_space<vmem>>) target_semaphore(%arg9 : memref<!tpu.dma_semaphore, #tpu.memory_space<semaphore_mem>>)
    } else {
    }
    %ne3A_105 = arith.constant 2 : i32
    %ne3A_106 = arith.cmpi ne, %squeeze3A_99, %ne3A_105 : i32
    %convert_element_type3A_107 = arith.extui %ne3A_106 : i1 to i32
    %cond3A_108 = arith.constant 0 : i32
    %cond3A_109 = arith.cmpi ne, %convert_element_type3A_107, %cond3A_108 : i32
    scf.if %cond3A_109 {
      %dma_start3A_877 = arith.constant 2 : i32
      %dma_start3A_878 = arith.constant 0 : i32
      %dma_start3A_879 = arith.constant 0 : i32
      %dma_start3A_880 = tpu.memref_slice %arg2[%add3A_97, %dma_start3A_877, %dma_start3A_878, %dma_start3A_879] : memref<128x4x84x400xf32, #tpu.memory_space<hbm>> -> memref<1x1x84x400xf32, #tpu.memory_space<hbm>>
      %dma_start3A_881 = tpu.memref_squeeze %dma_start3A_880 : memref<1x1x84x400xf32, #tpu.memory_space<hbm>> -> memref<84x400xf32, #tpu.memory_space<hbm>>
      %dma_start3A_882 = arith.constant 0 : i32
      %dma_start3A_883 = arith.constant 0 : i32
      %dma_start3A_884 = tpu.memref_slice %arg2[%add3A_97, %dma_start3A_877, %dma_start3A_882, %dma_start3A_883] : memref<128x4x84x400xf32, #tpu.memory_space<hbm>> -> memref<1x1x84x400xf32, #tpu.memory_space<hbm>>
      %dma_start3A_885 = tpu.memref_squeeze %dma_start3A_884 : memref<1x1x84x400xf32, #tpu.memory_space<hbm>> -> memref<84x400xf32, #tpu.memory_space<hbm>>
      tpu.enqueue_dma source(%dma_start3A_885 : memref<84x400xf32, #tpu.memory_space<hbm>>) target(%arg7 : memref<84x400xf32, #tpu.memory_space<vmem>>) target_semaphore(%arg9 : memref<!tpu.dma_semaphore, #tpu.memory_space<semaphore_mem>>)
    } else {
    }
    %mul3A_110 = arith.constant 4 : i32
    %mul3A_111 = arith.muli %add3A, %mul3A_110 : i32
    %add3A_112 = arith.constant 0 : i32
    %add3A_113 = arith.addi %mul3A_111, %add3A_112 : i32
    %dma_wait3A_114 = arith.constant 2 : i32
    %dma_wait3A_115 = arith.constant 0 : i32
    %dma_wait3A_116 = arith.constant 0 : i32
    %dma_wait3A_117 = tpu.memref_slice %arg2[%add3A_113, %dma_wait3A_114, %dma_wait3A_115, %dma_wait3A_116] : memref<128x4x84x400xf32, #tpu.memory_space<hbm>> -> memref<1x1x84x400xf32, #tpu.memory_space<hbm>>
    %dma_wait3A_118 = tpu.memref_squeeze %dma_wait3A_117 : memref<1x1x84x400xf32, #tpu.memory_space<hbm>> -> memref<84x400xf32, #tpu.memory_space<hbm>>
    %dma_wait3A_119 = arith.constant 0 : i32
    %dma_wait3A_120 = arith.constant 0 : i32
    %dma_wait3A_121 = tpu.memref_slice %arg2[%add3A_113, %dma_wait3A_114, %dma_wait3A_119, %dma_wait3A_120] : memref<128x4x84x400xf32, #tpu.memory_space<hbm>> -> memref<1x1x84x400xf32, #tpu.memory_space<hbm>>
    %dma_wait3A_122 = tpu.memref_squeeze %dma_wait3A_121 : memref<1x1x84x400xf32, #tpu.memory_space<hbm>> -> memref<84x400xf32, #tpu.memory_space<hbm>>
    tpu.wait_dma2 semaphore(%arg9 : memref<!tpu.dma_semaphore, #tpu.memory_space<semaphore_mem>>) src(%dma_wait3A_122 : memref<84x400xf32, #tpu.memory_space<hbm>>) dst(%arg7 : memref<84x400xf32, #tpu.memory_space<vmem>>)
    %mul3A_123 = arith.constant 4 : i32
    %mul3A_124 = arith.muli %add3A, %mul3A_123 : i32
    %add3A_125 = arith.constant 0 : i32
    %add3A_126 = arith.addi %mul3A_124, %add3A_125 : i32
    %dma_start3A_127 = arith.constant 2 : i32
    %dma_start3A_128 = arith.constant 0 : i32
    %dma_start3A_129 = arith.constant 0 : i32
    %dma_start3A_130 = tpu.memref_slice %arg5[%add3A_126, %dma_start3A_127, %dma_start3A_128, %dma_start3A_129] : memref<128x4x84x400xf32, #tpu.memory_space<hbm>> -> memref<1x1x84x400xf32, #tpu.memory_space<hbm>>
    %dma_start3A_131 = tpu.memref_squeeze %dma_start3A_130 : memref<1x1x84x400xf32, #tpu.memory_space<hbm>> -> memref<84x400xf32, #tpu.memory_space<hbm>>
    %dma_start3A_132 = arith.constant 0 : i32
    %dma_start3A_133 = arith.constant 0 : i32
    %dma_start3A_134 = tpu.memref_slice %arg5[%add3A_126, %dma_start3A_127, %dma_start3A_132, %dma_start3A_133] : memref<128x4x84x400xf32, #tpu.memory_space<hbm>> -> memref<1x1x84x400xf32, #tpu.memory_space<hbm>>
    %dma_start3A_135 = tpu.memref_squeeze %dma_start3A_134 : memref<1x1x84x400xf32, #tpu.memory_space<hbm>> -> memref<84x400xf32, #tpu.memory_space<hbm>>
    tpu.enqueue_dma source(%arg7 : memref<84x400xf32, #tpu.memory_space<vmem>>) target(%dma_start3A_135 : memref<84x400xf32, #tpu.memory_space<hbm>>) target_semaphore(%arg11 : memref<!tpu.dma_semaphore, #tpu.memory_space<semaphore_mem>>)
    %mul3A_136 = arith.constant 4 : i32
    %mul3A_137 = arith.muli %add3A, %mul3A_136 : i32
    %add3A_138 = arith.constant 0 : i32
    %add3A_139 = arith.addi %mul3A_137, %add3A_138 : i32
    %dma_wait3A_140 = arith.constant 1 : i32
    %dma_wait3A_141 = arith.constant 0 : i32
    %dma_wait3A_142 = arith.constant 0 : i32
    %dma_wait3A_143 = tpu.memref_slice %arg5[%add3A_139, %dma_wait3A_140, %dma_wait3A_141, %dma_wait3A_142] : memref<128x4x84x400xf32, #tpu.memory_space<hbm>> -> memref<1x1x84x400xf32, #tpu.memory_space<hbm>>
    %dma_wait3A_144 = tpu.memref_squeeze %dma_wait3A_143 : memref<1x1x84x400xf32, #tpu.memory_space<hbm>> -> memref<84x400xf32, #tpu.memory_space<hbm>>
    %dma_wait3A_145 = arith.constant 0 : i32
    %dma_wait3A_146 = arith.constant 0 : i32
    %dma_wait3A_147 = tpu.memref_slice %arg5[%add3A_139, %dma_wait3A_140, %dma_wait3A_145, %dma_wait3A_146] : memref<128x4x84x400xf32, #tpu.memory_space<hbm>> -> memref<1x1x84x400xf32, #tpu.memory_space<hbm>>
    %dma_wait3A_148 = tpu.memref_squeeze %dma_wait3A_147 : memref<1x1x84x400xf32, #tpu.memory_space<hbm>> -> memref<84x400xf32, #tpu.memory_space<hbm>>
    tpu.wait_dma2 semaphore(%arg12 : memref<!tpu.dma_semaphore, #tpu.memory_space<semaphore_mem>>) src(%arg8 : memref<84x400xf32, #tpu.memory_space<vmem>>) dst(%dma_wait3A_148 : memref<84x400xf32, #tpu.memory_space<hbm>>)
    %mul3A_149 = arith.constant 4 : i32
    %mul3A_150 = arith.muli %add3A, %mul3A_149 : i32
    %add3A_151 = arith.constant 0 : i32
    %add3A_152 = arith.addi %mul3A_150, %add3A_151 : i32
    %slice3A_153 = vector.extract_strided_slice %get3A_4 {offsets = [0], sizes = [1], strides = [1]} : vector<16xi32> to vector<1xi32>
    %squeeze3A_154 = vector.extract %slice3A_153[0] : i32 from vector<1xi32>
    %eq3A_155 = arith.constant 3 : i32
    %eq3A_156 = arith.cmpi eq, %squeeze3A_154, %eq3A_155 : i32
    %convert_element_type3A_157 = arith.extui %eq3A_156 : i1 to i32
    %cond3A_158 = arith.constant 0 : i32
    %cond3A_159 = arith.cmpi ne, %convert_element_type3A_157, %cond3A_158 : i32
    scf.if %cond3A_159 {
      %dma_start3A_877 = arith.constant 3 : i32
      %dma_start3A_878 = arith.constant 0 : i32
      %dma_start3A_879 = arith.constant 0 : i32
      %dma_start3A_880 = tpu.memref_slice %arg3[%add3A_152, %dma_start3A_877, %dma_start3A_878, %dma_start3A_879] : memref<128x4x84x400xf32, #tpu.memory_space<hbm>> -> memref<1x1x84x400xf32, #tpu.memory_space<hbm>>
      %dma_start3A_881 = tpu.memref_squeeze %dma_start3A_880 : memref<1x1x84x400xf32, #tpu.memory_space<hbm>> -> memref<84x400xf32, #tpu.memory_space<hbm>>
      %dma_start3A_882 = arith.constant 0 : i32
      %dma_start3A_883 = arith.constant 0 : i32
      %dma_start3A_884 = tpu.memref_slice %arg3[%add3A_152, %dma_start3A_877, %dma_start3A_882, %dma_start3A_883] : memref<128x4x84x400xf32, #tpu.memory_space<hbm>> -> memref<1x1x84x400xf32, #tpu.memory_space<hbm>>
      %dma_start3A_885 = tpu.memref_squeeze %dma_start3A_884 : memref<1x1x84x400xf32, #tpu.memory_space<hbm>> -> memref<84x400xf32, #tpu.memory_space<hbm>>
      tpu.enqueue_dma source(%dma_start3A_885 : memref<84x400xf32, #tpu.memory_space<hbm>>) target(%arg8 : memref<84x400xf32, #tpu.memory_space<vmem>>) target_semaphore(%arg10 : memref<!tpu.dma_semaphore, #tpu.memory_space<semaphore_mem>>)
    } else {
    }
    %ne3A_160 = arith.constant 3 : i32
    %ne3A_161 = arith.cmpi ne, %squeeze3A_154, %ne3A_160 : i32
    %convert_element_type3A_162 = arith.extui %ne3A_161 : i1 to i32
    %cond3A_163 = arith.constant 0 : i32
    %cond3A_164 = arith.cmpi ne, %convert_element_type3A_162, %cond3A_163 : i32
    scf.if %cond3A_164 {
      %dma_start3A_877 = arith.constant 3 : i32
      %dma_start3A_878 = arith.constant 0 : i32
      %dma_start3A_879 = arith.constant 0 : i32
      %dma_start3A_880 = tpu.memref_slice %arg2[%add3A_152, %dma_start3A_877, %dma_start3A_878, %dma_start3A_879] : memref<128x4x84x400xf32, #tpu.memory_space<hbm>> -> memref<1x1x84x400xf32, #tpu.memory_space<hbm>>
      %dma_start3A_881 = tpu.memref_squeeze %dma_start3A_880 : memref<1x1x84x400xf32, #tpu.memory_space<hbm>> -> memref<84x400xf32, #tpu.memory_space<hbm>>
      %dma_start3A_882 = arith.constant 0 : i32
      %dma_start3A_883 = arith.constant 0 : i32
      %dma_start3A_884 = tpu.memref_slice %arg2[%add3A_152, %dma_start3A_877, %dma_start3A_882, %dma_start3A_883] : memref<128x4x84x400xf32, #tpu.memory_space<hbm>> -> memref<1x1x84x400xf32, #tpu.memory_space<hbm>>
      %dma_start3A_885 = tpu.memref_squeeze %dma_start3A_884 : memref<1x1x84x400xf32, #tpu.memory_space<hbm>> -> memref<84x400xf32, #tpu.memory_space<hbm>>
      tpu.enqueue_dma source(%dma_start3A_885 : memref<84x400xf32, #tpu.memory_space<hbm>>) target(%arg8 : memref<84x400xf32, #tpu.memory_space<vmem>>) target_semaphore(%arg10 : memref<!tpu.dma_semaphore, #tpu.memory_space<semaphore_mem>>)
    } else {
    }
    %mul3A_165 = arith.constant 4 : i32
    %mul3A_166 = arith.muli %add3A, %mul3A_165 : i32
    %add3A_167 = arith.constant 0 : i32
    %add3A_168 = arith.addi %mul3A_166, %add3A_167 : i32
    %dma_wait3A_169 = arith.constant 3 : i32
    %dma_wait3A_170 = arith.constant 0 : i32
    %dma_wait3A_171 = arith.constant 0 : i32
    %dma_wait3A_172 = tpu.memref_slice %arg2[%add3A_168, %dma_wait3A_169, %dma_wait3A_170, %dma_wait3A_171] : memref<128x4x84x400xf32, #tpu.memory_space<hbm>> -> memref<1x1x84x400xf32, #tpu.memory_space<hbm>>
    %dma_wait3A_173 = tpu.memref_squeeze %dma_wait3A_172 : memref<1x1x84x400xf32, #tpu.memory_space<hbm>> -> memref<84x400xf32, #tpu.memory_space<hbm>>
    %dma_wait3A_174 = arith.constant 0 : i32
    %dma_wait3A_175 = arith.constant 0 : i32
    %dma_wait3A_176 = tpu.memref_slice %arg2[%add3A_168, %dma_wait3A_169, %dma_wait3A_174, %dma_wait3A_175] : memref<128x4x84x400xf32, #tpu.memory_space<hbm>> -> memref<1x1x84x400xf32, #tpu.memory_space<hbm>>
    %dma_wait3A_177 = tpu.memref_squeeze %dma_wait3A_176 : memref<1x1x84x400xf32, #tpu.memory_space<hbm>> -> memref<84x400xf32, #tpu.memory_space<hbm>>
    tpu.wait_dma2 semaphore(%arg10 : memref<!tpu.dma_semaphore, #tpu.memory_space<semaphore_mem>>) src(%dma_wait3A_177 : memref<84x400xf32, #tpu.memory_space<hbm>>) dst(%arg8 : memref<84x400xf32, #tpu.memory_space<vmem>>)
    %mul3A_178 = arith.constant 4 : i32
    %mul3A_179 = arith.muli %add3A, %mul3A_178 : i32
    %add3A_180 = arith.constant 0 : i32
    %add3A_181 = arith.addi %mul3A_179, %add3A_180 : i32
    %dma_start3A_182 = arith.constant 3 : i32
    %dma_start3A_183 = arith.constant 0 : i32
    %dma_start3A_184 = arith.constant 0 : i32
    %dma_start3A_185 = tpu.memref_slice %arg5[%add3A_181, %dma_start3A_182, %dma_start3A_183, %dma_start3A_184] : memref<128x4x84x400xf32, #tpu.memory_space<hbm>> -> memref<1x1x84x400xf32, #tpu.memory_space<hbm>>
    %dma_start3A_186 = tpu.memref_squeeze %dma_start3A_185 : memref<1x1x84x400xf32, #tpu.memory_space<hbm>> -> memref<84x400xf32, #tpu.memory_space<hbm>>
    %dma_start3A_187 = arith.constant 0 : i32
    %dma_start3A_188 = arith.constant 0 : i32
    %dma_start3A_189 = tpu.memref_slice %arg5[%add3A_181, %dma_start3A_182, %dma_start3A_187, %dma_start3A_188] : memref<128x4x84x400xf32, #tpu.memory_space<hbm>> -> memref<1x1x84x400xf32, #tpu.memory_space<hbm>>
    %dma_start3A_190 = tpu.memref_squeeze %dma_start3A_189 : memref<1x1x84x400xf32, #tpu.memory_space<hbm>> -> memref<84x400xf32, #tpu.memory_space<hbm>>
    tpu.enqueue_dma source(%arg8 : memref<84x400xf32, #tpu.memory_space<vmem>>) target(%dma_start3A_190 : memref<84x400xf32, #tpu.memory_space<hbm>>) target_semaphore(%arg12 : memref<!tpu.dma_semaphore, #tpu.memory_space<semaphore_mem>>)
    %mul3A_191 = arith.constant 4 : i32
    %mul3A_192 = arith.muli %add3A, %mul3A_191 : i32
    %add3A_193 = arith.constant 0 : i32
    %add3A_194 = arith.addi %mul3A_192, %add3A_193 : i32
    %dma_wait3A_195 = arith.constant 2 : i32
    %dma_wait3A_196 = arith.constant 0 : i32
    %dma_wait3A_197 = arith.constant 0 : i32
    %dma_wait3A_198 = tpu.memref_slice %arg5[%add3A_194, %dma_wait3A_195, %dma_wait3A_196, %dma_wait3A_197] : memref<128x4x84x400xf32, #tpu.memory_space<hbm>> -> memref<1x1x84x400xf32, #tpu.memory_space<hbm>>
    %dma_wait3A_199 = tpu.memref_squeeze %dma_wait3A_198 : memref<1x1x84x400xf32, #tpu.memory_space<hbm>> -> memref<84x400xf32, #tpu.memory_space<hbm>>
    %dma_wait3A_200 = arith.constant 0 : i32
    %dma_wait3A_201 = arith.constant 0 : i32
    %dma_wait3A_202 = tpu.memref_slice %arg5[%add3A_194, %dma_wait3A_195, %dma_wait3A_200, %dma_wait3A_201] : memref<128x4x84x400xf32, #tpu.memory_space<hbm>> -> memref<1x1x84x400xf32, #tpu.memory_space<hbm>>
    %dma_wait3A_203 = tpu.memref_squeeze %dma_wait3A_202 : memref<1x1x84x400xf32, #tpu.memory_space<hbm>> -> memref<84x400xf32, #tpu.memory_space<hbm>>
    tpu.wait_dma2 semaphore(%arg11 : memref<!tpu.dma_semaphore, #tpu.memory_space<semaphore_mem>>) src(%arg7 : memref<84x400xf32, #tpu.memory_space<vmem>>) dst(%dma_wait3A_203 : memref<84x400xf32, #tpu.memory_space<hbm>>)
    %mul3A_204 = arith.constant 4 : i32
    %mul3A_205 = arith.muli %add3A, %mul3A_204 : i32
    %add3A_206 = arith.constant 1 : i32
    %add3A_207 = arith.addi %mul3A_205, %add3A_206 : i32
    %slice3A_208 = vector.extract_strided_slice %get3A_4 {offsets = [1], sizes = [1], strides = [1]} : vector<16xi32> to vector<1xi32>
    %squeeze3A_209 = vector.extract %slice3A_208[0] : i32 from vector<1xi32>
    %eq3A_210 = arith.constant 0 : i32
    %eq3A_211 = arith.cmpi eq, %squeeze3A_209, %eq3A_210 : i32
    %convert_element_type3A_212 = arith.extui %eq3A_211 : i1 to i32
    %cond3A_213 = arith.constant 0 : i32
    %cond3A_214 = arith.cmpi ne, %convert_element_type3A_212, %cond3A_213 : i32
    scf.if %cond3A_214 {
      %dma_start3A_877 = arith.constant 0 : i32
      %dma_start3A_878 = arith.constant 0 : i32
      %dma_start3A_879 = arith.constant 0 : i32
      %dma_start3A_880 = tpu.memref_slice %arg3[%add3A_207, %dma_start3A_877, %dma_start3A_878, %dma_start3A_879] : memref<128x4x84x400xf32, #tpu.memory_space<hbm>> -> memref<1x1x84x400xf32, #tpu.memory_space<hbm>>
      %dma_start3A_881 = tpu.memref_squeeze %dma_start3A_880 : memref<1x1x84x400xf32, #tpu.memory_space<hbm>> -> memref<84x400xf32, #tpu.memory_space<hbm>>
      %dma_start3A_882 = arith.constant 0 : i32
      %dma_start3A_883 = arith.constant 0 : i32
      %dma_start3A_884 = tpu.memref_slice %arg3[%add3A_207, %dma_start3A_877, %dma_start3A_882, %dma_start3A_883] : memref<128x4x84x400xf32, #tpu.memory_space<hbm>> -> memref<1x1x84x400xf32, #tpu.memory_space<hbm>>
      %dma_start3A_885 = tpu.memref_squeeze %dma_start3A_884 : memref<1x1x84x400xf32, #tpu.memory_space<hbm>> -> memref<84x400xf32, #tpu.memory_space<hbm>>
      tpu.enqueue_dma source(%dma_start3A_885 : memref<84x400xf32, #tpu.memory_space<hbm>>) target(%arg7 : memref<84x400xf32, #tpu.memory_space<vmem>>) target_semaphore(%arg9 : memref<!tpu.dma_semaphore, #tpu.memory_space<semaphore_mem>>)
    } else {
    }
    %ne3A_215 = arith.constant 0 : i32
    %ne3A_216 = arith.cmpi ne, %squeeze3A_209, %ne3A_215 : i32
    %convert_element_type3A_217 = arith.extui %ne3A_216 : i1 to i32
    %cond3A_218 = arith.constant 0 : i32
    %cond3A_219 = arith.cmpi ne, %convert_element_type3A_217, %cond3A_218 : i32
    scf.if %cond3A_219 {
      %dma_start3A_877 = arith.constant 0 : i32
      %dma_start3A_878 = arith.constant 0 : i32
      %dma_start3A_879 = arith.constant 0 : i32
      %dma_start3A_880 = tpu.memref_slice %arg2[%add3A_207, %dma_start3A_877, %dma_start3A_878, %dma_start3A_879] : memref<128x4x84x400xf32, #tpu.memory_space<hbm>> -> memref<1x1x84x400xf32, #tpu.memory_space<hbm>>
      %dma_start3A_881 = tpu.memref_squeeze %dma_start3A_880 : memref<1x1x84x400xf32, #tpu.memory_space<hbm>> -> memref<84x400xf32, #tpu.memory_space<hbm>>
      %dma_start3A_882 = arith.constant 0 : i32
      %dma_start3A_883 = arith.constant 0 : i32
      %dma_start3A_884 = tpu.memref_slice %arg2[%add3A_207, %dma_start3A_877, %dma_start3A_882, %dma_start3A_883] : memref<128x4x84x400xf32, #tpu.memory_space<hbm>> -> memref<1x1x84x400xf32, #tpu.memory_space<hbm>>
      %dma_start3A_885 = tpu.memref_squeeze %dma_start3A_884 : memref<1x1x84x400xf32, #tpu.memory_space<hbm>> -> memref<84x400xf32, #tpu.memory_space<hbm>>
      tpu.enqueue_dma source(%dma_start3A_885 : memref<84x400xf32, #tpu.memory_space<hbm>>) target(%arg7 : memref<84x400xf32, #tpu.memory_space<vmem>>) target_semaphore(%arg9 : memref<!tpu.dma_semaphore, #tpu.memory_space<semaphore_mem>>)
    } else {
    }
    %mul3A_220 = arith.constant 4 : i32
    %mul3A_221 = arith.muli %add3A, %mul3A_220 : i32
    %add3A_222 = arith.constant 1 : i32
    %add3A_223 = arith.addi %mul3A_221, %add3A_222 : i32
    %dma_wait3A_224 = arith.constant 0 : i32
    %dma_wait3A_225 = arith.constant 0 : i32
    %dma_wait3A_226 = arith.constant 0 : i32
    %dma_wait3A_227 = tpu.memref_slice %arg2[%add3A_223, %dma_wait3A_224, %dma_wait3A_225, %dma_wait3A_226] : memref<128x4x84x400xf32, #tpu.memory_space<hbm>> -> memref<1x1x84x400xf32, #tpu.memory_space<hbm>>
    %dma_wait3A_228 = tpu.memref_squeeze %dma_wait3A_227 : memref<1x1x84x400xf32, #tpu.memory_space<hbm>> -> memref<84x400xf32, #tpu.memory_space<hbm>>
    %dma_wait3A_229 = arith.constant 0 : i32
    %dma_wait3A_230 = arith.constant 0 : i32
    %dma_wait3A_231 = tpu.memref_slice %arg2[%add3A_223, %dma_wait3A_224, %dma_wait3A_229, %dma_wait3A_230] : memref<128x4x84x400xf32, #tpu.memory_space<hbm>> -> memref<1x1x84x400xf32, #tpu.memory_space<hbm>>
    %dma_wait3A_232 = tpu.memref_squeeze %dma_wait3A_231 : memref<1x1x84x400xf32, #tpu.memory_space<hbm>> -> memref<84x400xf32, #tpu.memory_space<hbm>>
    tpu.wait_dma2 semaphore(%arg9 : memref<!tpu.dma_semaphore, #tpu.memory_space<semaphore_mem>>) src(%dma_wait3A_232 : memref<84x400xf32, #tpu.memory_space<hbm>>) dst(%arg7 : memref<84x400xf32, #tpu.memory_space<vmem>>)
    %mul3A_233 = arith.constant 4 : i32
    %mul3A_234 = arith.muli %add3A, %mul3A_233 : i32
    %add3A_235 = arith.constant 1 : i32
    %add3A_236 = arith.addi %mul3A_234, %add3A_235 : i32
    %dma_start3A_237 = arith.constant 0 : i32
    %dma_start3A_238 = arith.constant 0 : i32
    %dma_start3A_239 = arith.constant 0 : i32
    %dma_start3A_240 = tpu.memref_slice %arg5[%add3A_236, %dma_start3A_237, %dma_start3A_238, %dma_start3A_239] : memref<128x4x84x400xf32, #tpu.memory_space<hbm>> -> memref<1x1x84x400xf32, #tpu.memory_space<hbm>>
    %dma_start3A_241 = tpu.memref_squeeze %dma_start3A_240 : memref<1x1x84x400xf32, #tpu.memory_space<hbm>> -> memref<84x400xf32, #tpu.memory_space<hbm>>
    %dma_start3A_242 = arith.constant 0 : i32
    %dma_start3A_243 = arith.constant 0 : i32
    %dma_start3A_244 = tpu.memref_slice %arg5[%add3A_236, %dma_start3A_237, %dma_start3A_242, %dma_start3A_243] : memref<128x4x84x400xf32, #tpu.memory_space<hbm>> -> memref<1x1x84x400xf32, #tpu.memory_space<hbm>>
    %dma_start3A_245 = tpu.memref_squeeze %dma_start3A_244 : memref<1x1x84x400xf32, #tpu.memory_space<hbm>> -> memref<84x400xf32, #tpu.memory_space<hbm>>
    tpu.enqueue_dma source(%arg7 : memref<84x400xf32, #tpu.memory_space<vmem>>) target(%dma_start3A_245 : memref<84x400xf32, #tpu.memory_space<hbm>>) target_semaphore(%arg11 : memref<!tpu.dma_semaphore, #tpu.memory_space<semaphore_mem>>)
    %mul3A_246 = arith.constant 4 : i32
    %mul3A_247 = arith.muli %add3A, %mul3A_246 : i32
    %add3A_248 = arith.constant 0 : i32
    %add3A_249 = arith.addi %mul3A_247, %add3A_248 : i32
    %dma_wait3A_250 = arith.constant 3 : i32
    %dma_wait3A_251 = arith.constant 0 : i32
    %dma_wait3A_252 = arith.constant 0 : i32
    %dma_wait3A_253 = tpu.memref_slice %arg5[%add3A_249, %dma_wait3A_250, %dma_wait3A_251, %dma_wait3A_252] : memref<128x4x84x400xf32, #tpu.memory_space<hbm>> -> memref<1x1x84x400xf32, #tpu.memory_space<hbm>>
    %dma_wait3A_254 = tpu.memref_squeeze %dma_wait3A_253 : memref<1x1x84x400xf32, #tpu.memory_space<hbm>> -> memref<84x400xf32, #tpu.memory_space<hbm>>
    %dma_wait3A_255 = arith.constant 0 : i32
    %dma_wait3A_256 = arith.constant 0 : i32
    %dma_wait3A_257 = tpu.memref_slice %arg5[%add3A_249, %dma_wait3A_250, %dma_wait3A_255, %dma_wait3A_256] : memref<128x4x84x400xf32, #tpu.memory_space<hbm>> -> memref<1x1x84x400xf32, #tpu.memory_space<hbm>>
    %dma_wait3A_258 = tpu.memref_squeeze %dma_wait3A_257 : memref<1x1x84x400xf32, #tpu.memory_space<hbm>> -> memref<84x400xf32, #tpu.memory_space<hbm>>
    tpu.wait_dma2 semaphore(%arg12 : memref<!tpu.dma_semaphore, #tpu.memory_space<semaphore_mem>>) src(%arg8 : memref<84x400xf32, #tpu.memory_space<vmem>>) dst(%dma_wait3A_258 : memref<84x400xf32, #tpu.memory_space<hbm>>)
    %mul3A_259 = arith.constant 4 : i32
    %mul3A_260 = arith.muli %add3A, %mul3A_259 : i32
    %add3A_261 = arith.constant 1 : i32
    %add3A_262 = arith.addi %mul3A_260, %add3A_261 : i32
    %slice3A_263 = vector.extract_strided_slice %get3A_4 {offsets = [1], sizes = [1], strides = [1]} : vector<16xi32> to vector<1xi32>
    %squeeze3A_264 = vector.extract %slice3A_263[0] : i32 from vector<1xi32>
    %eq3A_265 = arith.constant 1 : i32
    %eq3A_266 = arith.cmpi eq, %squeeze3A_264, %eq3A_265 : i32
    %convert_element_type3A_267 = arith.extui %eq3A_266 : i1 to i32
    %cond3A_268 = arith.constant 0 : i32
    %cond3A_269 = arith.cmpi ne, %convert_element_type3A_267, %cond3A_268 : i32
    scf.if %cond3A_269 {
      %dma_start3A_877 = arith.constant 1 : i32
      %dma_start3A_878 = arith.constant 0 : i32
      %dma_start3A_879 = arith.constant 0 : i32
      %dma_start3A_880 = tpu.memref_slice %arg3[%add3A_262, %dma_start3A_877, %dma_start3A_878, %dma_start3A_879] : memref<128x4x84x400xf32, #tpu.memory_space<hbm>> -> memref<1x1x84x400xf32, #tpu.memory_space<hbm>>
      %dma_start3A_881 = tpu.memref_squeeze %dma_start3A_880 : memref<1x1x84x400xf32, #tpu.memory_space<hbm>> -> memref<84x400xf32, #tpu.memory_space<hbm>>
      %dma_start3A_882 = arith.constant 0 : i32
      %dma_start3A_883 = arith.constant 0 : i32
      %dma_start3A_884 = tpu.memref_slice %arg3[%add3A_262, %dma_start3A_877, %dma_start3A_882, %dma_start3A_883] : memref<128x4x84x400xf32, #tpu.memory_space<hbm>> -> memref<1x1x84x400xf32, #tpu.memory_space<hbm>>
      %dma_start3A_885 = tpu.memref_squeeze %dma_start3A_884 : memref<1x1x84x400xf32, #tpu.memory_space<hbm>> -> memref<84x400xf32, #tpu.memory_space<hbm>>
      tpu.enqueue_dma source(%dma_start3A_885 : memref<84x400xf32, #tpu.memory_space<hbm>>) target(%arg8 : memref<84x400xf32, #tpu.memory_space<vmem>>) target_semaphore(%arg10 : memref<!tpu.dma_semaphore, #tpu.memory_space<semaphore_mem>>)
    } else {
    }
    %ne3A_270 = arith.constant 1 : i32
    %ne3A_271 = arith.cmpi ne, %squeeze3A_264, %ne3A_270 : i32
    %convert_element_type3A_272 = arith.extui %ne3A_271 : i1 to i32
    %cond3A_273 = arith.constant 0 : i32
    %cond3A_274 = arith.cmpi ne, %convert_element_type3A_272, %cond3A_273 : i32
    scf.if %cond3A_274 {
      %dma_start3A_877 = arith.constant 1 : i32
      %dma_start3A_878 = arith.constant 0 : i32
      %dma_start3A_879 = arith.constant 0 : i32
      %dma_start3A_880 = tpu.memref_slice %arg2[%add3A_262, %dma_start3A_877, %dma_start3A_878, %dma_start3A_879] : memref<128x4x84x400xf32, #tpu.memory_space<hbm>> -> memref<1x1x84x400xf32, #tpu.memory_space<hbm>>
      %dma_start3A_881 = tpu.memref_squeeze %dma_start3A_880 : memref<1x1x84x400xf32, #tpu.memory_space<hbm>> -> memref<84x400xf32, #tpu.memory_space<hbm>>
      %dma_start3A_882 = arith.constant 0 : i32
      %dma_start3A_883 = arith.constant 0 : i32
      %dma_start3A_884 = tpu.memref_slice %arg2[%add3A_262, %dma_start3A_877, %dma_start3A_882, %dma_start3A_883] : memref<128x4x84x400xf32, #tpu.memory_space<hbm>> -> memref<1x1x84x400xf32, #tpu.memory_space<hbm>>
      %dma_start3A_885 = tpu.memref_squeeze %dma_start3A_884 : memref<1x1x84x400xf32, #tpu.memory_space<hbm>> -> memref<84x400xf32, #tpu.memory_space<hbm>>
      tpu.enqueue_dma source(%dma_start3A_885 : memref<84x400xf32, #tpu.memory_space<hbm>>) target(%arg8 : memref<84x400xf32, #tpu.memory_space<vmem>>) target_semaphore(%arg10 : memref<!tpu.dma_semaphore, #tpu.memory_space<semaphore_mem>>)
    } else {
    }
    %mul3A_275 = arith.constant 4 : i32
    %mul3A_276 = arith.muli %add3A, %mul3A_275 : i32
    %add3A_277 = arith.constant 1 : i32
    %add3A_278 = arith.addi %mul3A_276, %add3A_277 : i32
    %dma_wait3A_279 = arith.constant 1 : i32
    %dma_wait3A_280 = arith.constant 0 : i32
    %dma_wait3A_281 = arith.constant 0 : i32
    %dma_wait3A_282 = tpu.memref_slice %arg2[%add3A_278, %dma_wait3A_279, %dma_wait3A_280, %dma_wait3A_281] : memref<128x4x84x400xf32, #tpu.memory_space<hbm>> -> memref<1x1x84x400xf32, #tpu.memory_space<hbm>>
    %dma_wait3A_283 = tpu.memref_squeeze %dma_wait3A_282 : memref<1x1x84x400xf32, #tpu.memory_space<hbm>> -> memref<84x400xf32, #tpu.memory_space<hbm>>
    %dma_wait3A_284 = arith.constant 0 : i32
    %dma_wait3A_285 = arith.constant 0 : i32
    %dma_wait3A_286 = tpu.memref_slice %arg2[%add3A_278, %dma_wait3A_279, %dma_wait3A_284, %dma_wait3A_285] : memref<128x4x84x400xf32, #tpu.memory_space<hbm>> -> memref<1x1x84x400xf32, #tpu.memory_space<hbm>>
    %dma_wait3A_287 = tpu.memref_squeeze %dma_wait3A_286 : memref<1x1x84x400xf32, #tpu.memory_space<hbm>> -> memref<84x400xf32, #tpu.memory_space<hbm>>
    tpu.wait_dma2 semaphore(%arg10 : memref<!tpu.dma_semaphore, #tpu.memory_space<semaphore_mem>>) src(%dma_wait3A_287 : memref<84x400xf32, #tpu.memory_space<hbm>>) dst(%arg8 : memref<84x400xf32, #tpu.memory_space<vmem>>)
    %mul3A_288 = arith.constant 4 : i32
    %mul3A_289 = arith.muli %add3A, %mul3A_288 : i32
    %add3A_290 = arith.constant 1 : i32
    %add3A_291 = arith.addi %mul3A_289, %add3A_290 : i32
    %dma_start3A_292 = arith.constant 1 : i32
    %dma_start3A_293 = arith.constant 0 : i32
    %dma_start3A_294 = arith.constant 0 : i32
    %dma_start3A_295 = tpu.memref_slice %arg5[%add3A_291, %dma_start3A_292, %dma_start3A_293, %dma_start3A_294] : memref<128x4x84x400xf32, #tpu.memory_space<hbm>> -> memref<1x1x84x400xf32, #tpu.memory_space<hbm>>
    %dma_start3A_296 = tpu.memref_squeeze %dma_start3A_295 : memref<1x1x84x400xf32, #tpu.memory_space<hbm>> -> memref<84x400xf32, #tpu.memory_space<hbm>>
    %dma_start3A_297 = arith.constant 0 : i32
    %dma_start3A_298 = arith.constant 0 : i32
    %dma_start3A_299 = tpu.memref_slice %arg5[%add3A_291, %dma_start3A_292, %dma_start3A_297, %dma_start3A_298] : memref<128x4x84x400xf32, #tpu.memory_space<hbm>> -> memref<1x1x84x400xf32, #tpu.memory_space<hbm>>
    %dma_start3A_300 = tpu.memref_squeeze %dma_start3A_299 : memref<1x1x84x400xf32, #tpu.memory_space<hbm>> -> memref<84x400xf32, #tpu.memory_space<hbm>>
    tpu.enqueue_dma source(%arg8 : memref<84x400xf32, #tpu.memory_space<vmem>>) target(%dma_start3A_300 : memref<84x400xf32, #tpu.memory_space<hbm>>) target_semaphore(%arg12 : memref<!tpu.dma_semaphore, #tpu.memory_space<semaphore_mem>>)
    %mul3A_301 = arith.constant 4 : i32
    %mul3A_302 = arith.muli %add3A, %mul3A_301 : i32
    %add3A_303 = arith.constant 1 : i32
    %add3A_304 = arith.addi %mul3A_302, %add3A_303 : i32
    %dma_wait3A_305 = arith.constant 0 : i32
    %dma_wait3A_306 = arith.constant 0 : i32
    %dma_wait3A_307 = arith.constant 0 : i32
    %dma_wait3A_308 = tpu.memref_slice %arg5[%add3A_304, %dma_wait3A_305, %dma_wait3A_306, %dma_wait3A_307] : memref<128x4x84x400xf32, #tpu.memory_space<hbm>> -> memref<1x1x84x400xf32, #tpu.memory_space<hbm>>
    %dma_wait3A_309 = tpu.memref_squeeze %dma_wait3A_308 : memref<1x1x84x400xf32, #tpu.memory_space<hbm>> -> memref<84x400xf32, #tpu.memory_space<hbm>>
    %dma_wait3A_310 = arith.constant 0 : i32
    %dma_wait3A_311 = arith.constant 0 : i32
    %dma_wait3A_312 = tpu.memref_slice %arg5[%add3A_304, %dma_wait3A_305, %dma_wait3A_310, %dma_wait3A_311] : memref<128x4x84x400xf32, #tpu.memory_space<hbm>> -> memref<1x1x84x400xf32, #tpu.memory_space<hbm>>
    %dma_wait3A_313 = tpu.memref_squeeze %dma_wait3A_312 : memref<1x1x84x400xf32, #tpu.memory_space<hbm>> -> memref<84x400xf32, #tpu.memory_space<hbm>>
    tpu.wait_dma2 semaphore(%arg11 : memref<!tpu.dma_semaphore, #tpu.memory_space<semaphore_mem>>) src(%arg7 : memref<84x400xf32, #tpu.memory_space<vmem>>) dst(%dma_wait3A_313 : memref<84x400xf32, #tpu.memory_space<hbm>>)
    %mul3A_314 = arith.constant 4 : i32
    %mul3A_315 = arith.muli %add3A, %mul3A_314 : i32
    %add3A_316 = arith.constant 1 : i32
    %add3A_317 = arith.addi %mul3A_315, %add3A_316 : i32
    %slice3A_318 = vector.extract_strided_slice %get3A_4 {offsets = [1], sizes = [1], strides = [1]} : vector<16xi32> to vector<1xi32>
    %squeeze3A_319 = vector.extract %slice3A_318[0] : i32 from vector<1xi32>
    %eq3A_320 = arith.constant 2 : i32
    %eq3A_321 = arith.cmpi eq, %squeeze3A_319, %eq3A_320 : i32
    %convert_element_type3A_322 = arith.extui %eq3A_321 : i1 to i32
    %cond3A_323 = arith.constant 0 : i32
    %cond3A_324 = arith.cmpi ne, %convert_element_type3A_322, %cond3A_323 : i32
    scf.if %cond3A_324 {
      %dma_start3A_877 = arith.constant 2 : i32
      %dma_start3A_878 = arith.constant 0 : i32
      %dma_start3A_879 = arith.constant 0 : i32
      %dma_start3A_880 = tpu.memref_slice %arg3[%add3A_317, %dma_start3A_877, %dma_start3A_878, %dma_start3A_879] : memref<128x4x84x400xf32, #tpu.memory_space<hbm>> -> memref<1x1x84x400xf32, #tpu.memory_space<hbm>>
      %dma_start3A_881 = tpu.memref_squeeze %dma_start3A_880 : memref<1x1x84x400xf32, #tpu.memory_space<hbm>> -> memref<84x400xf32, #tpu.memory_space<hbm>>
      %dma_start3A_882 = arith.constant 0 : i32
      %dma_start3A_883 = arith.constant 0 : i32
      %dma_start3A_884 = tpu.memref_slice %arg3[%add3A_317, %dma_start3A_877, %dma_start3A_882, %dma_start3A_883] : memref<128x4x84x400xf32, #tpu.memory_space<hbm>> -> memref<1x1x84x400xf32, #tpu.memory_space<hbm>>
      %dma_start3A_885 = tpu.memref_squeeze %dma_start3A_884 : memref<1x1x84x400xf32, #tpu.memory_space<hbm>> -> memref<84x400xf32, #tpu.memory_space<hbm>>
      tpu.enqueue_dma source(%dma_start3A_885 : memref<84x400xf32, #tpu.memory_space<hbm>>) target(%arg7 : memref<84x400xf32, #tpu.memory_space<vmem>>) target_semaphore(%arg9 : memref<!tpu.dma_semaphore, #tpu.memory_space<semaphore_mem>>)
    } else {
    }
    %ne3A_325 = arith.constant 2 : i32
    %ne3A_326 = arith.cmpi ne, %squeeze3A_319, %ne3A_325 : i32
    %convert_element_type3A_327 = arith.extui %ne3A_326 : i1 to i32
    %cond3A_328 = arith.constant 0 : i32
    %cond3A_329 = arith.cmpi ne, %convert_element_type3A_327, %cond3A_328 : i32
    scf.if %cond3A_329 {
      %dma_start3A_877 = arith.constant 2 : i32
      %dma_start3A_878 = arith.constant 0 : i32
      %dma_start3A_879 = arith.constant 0 : i32
      %dma_start3A_880 = tpu.memref_slice %arg2[%add3A_317, %dma_start3A_877, %dma_start3A_878, %dma_start3A_879] : memref<128x4x84x400xf32, #tpu.memory_space<hbm>> -> memref<1x1x84x400xf32, #tpu.memory_space<hbm>>
      %dma_start3A_881 = tpu.memref_squeeze %dma_start3A_880 : memref<1x1x84x400xf32, #tpu.memory_space<hbm>> -> memref<84x400xf32, #tpu.memory_space<hbm>>
      %dma_start3A_882 = arith.constant 0 : i32
      %dma_start3A_883 = arith.constant 0 : i32
      %dma_start3A_884 = tpu.memref_slice %arg2[%add3A_317, %dma_start3A_877, %dma_start3A_882, %dma_start3A_883] : memref<128x4x84x400xf32, #tpu.memory_space<hbm>> -> memref<1x1x84x400xf32, #tpu.memory_space<hbm>>
      %dma_start3A_885 = tpu.memref_squeeze %dma_start3A_884 : memref<1x1x84x400xf32, #tpu.memory_space<hbm>> -> memref<84x400xf32, #tpu.memory_space<hbm>>
      tpu.enqueue_dma source(%dma_start3A_885 : memref<84x400xf32, #tpu.memory_space<hbm>>) target(%arg7 : memref<84x400xf32, #tpu.memory_space<vmem>>) target_semaphore(%arg9 : memref<!tpu.dma_semaphore, #tpu.memory_space<semaphore_mem>>)
    } else {
    }
    %mul3A_330 = arith.constant 4 : i32
    %mul3A_331 = arith.muli %add3A, %mul3A_330 : i32
    %add3A_332 = arith.constant 1 : i32
    %add3A_333 = arith.addi %mul3A_331, %add3A_332 : i32
    %dma_wait3A_334 = arith.constant 2 : i32
    %dma_wait3A_335 = arith.constant 0 : i32
    %dma_wait3A_336 = arith.constant 0 : i32
    %dma_wait3A_337 = tpu.memref_slice %arg2[%add3A_333, %dma_wait3A_334, %dma_wait3A_335, %dma_wait3A_336] : memref<128x4x84x400xf32, #tpu.memory_space<hbm>> -> memref<1x1x84x400xf32, #tpu.memory_space<hbm>>
    %dma_wait3A_338 = tpu.memref_squeeze %dma_wait3A_337 : memref<1x1x84x400xf32, #tpu.memory_space<hbm>> -> memref<84x400xf32, #tpu.memory_space<hbm>>
    %dma_wait3A_339 = arith.constant 0 : i32
    %dma_wait3A_340 = arith.constant 0 : i32
    %dma_wait3A_341 = tpu.memref_slice %arg2[%add3A_333, %dma_wait3A_334, %dma_wait3A_339, %dma_wait3A_340] : memref<128x4x84x400xf32, #tpu.memory_space<hbm>> -> memref<1x1x84x400xf32, #tpu.memory_space<hbm>>
    %dma_wait3A_342 = tpu.memref_squeeze %dma_wait3A_341 : memref<1x1x84x400xf32, #tpu.memory_space<hbm>> -> memref<84x400xf32, #tpu.memory_space<hbm>>
    tpu.wait_dma2 semaphore(%arg9 : memref<!tpu.dma_semaphore, #tpu.memory_space<semaphore_mem>>) src(%dma_wait3A_342 : memref<84x400xf32, #tpu.memory_space<hbm>>) dst(%arg7 : memref<84x400xf32, #tpu.memory_space<vmem>>)
    %mul3A_343 = arith.constant 4 : i32
    %mul3A_344 = arith.muli %add3A, %mul3A_343 : i32
    %add3A_345 = arith.constant 1 : i32
    %add3A_346 = arith.addi %mul3A_344, %add3A_345 : i32
    %dma_start3A_347 = arith.constant 2 : i32
    %dma_start3A_348 = arith.constant 0 : i32
    %dma_start3A_349 = arith.constant 0 : i32
    %dma_start3A_350 = tpu.memref_slice %arg5[%add3A_346, %dma_start3A_347, %dma_start3A_348, %dma_start3A_349] : memref<128x4x84x400xf32, #tpu.memory_space<hbm>> -> memref<1x1x84x400xf32, #tpu.memory_space<hbm>>
    %dma_start3A_351 = tpu.memref_squeeze %dma_start3A_350 : memref<1x1x84x400xf32, #tpu.memory_space<hbm>> -> memref<84x400xf32, #tpu.memory_space<hbm>>
    %dma_start3A_352 = arith.constant 0 : i32
    %dma_start3A_353 = arith.constant 0 : i32
    %dma_start3A_354 = tpu.memref_slice %arg5[%add3A_346, %dma_start3A_347, %dma_start3A_352, %dma_start3A_353] : memref<128x4x84x400xf32, #tpu.memory_space<hbm>> -> memref<1x1x84x400xf32, #tpu.memory_space<hbm>>
    %dma_start3A_355 = tpu.memref_squeeze %dma_start3A_354 : memref<1x1x84x400xf32, #tpu.memory_space<hbm>> -> memref<84x400xf32, #tpu.memory_space<hbm>>
    tpu.enqueue_dma source(%arg7 : memref<84x400xf32, #tpu.memory_space<vmem>>) target(%dma_start3A_355 : memref<84x400xf32, #tpu.memory_space<hbm>>) target_semaphore(%arg11 : memref<!tpu.dma_semaphore, #tpu.memory_space<semaphore_mem>>)
    %mul3A_356 = arith.constant 4 : i32
    %mul3A_357 = arith.muli %add3A, %mul3A_356 : i32
    %add3A_358 = arith.constant 1 : i32
    %add3A_359 = arith.addi %mul3A_357, %add3A_358 : i32
    %dma_wait3A_360 = arith.constant 1 : i32
    %dma_wait3A_361 = arith.constant 0 : i32
    %dma_wait3A_362 = arith.constant 0 : i32
    %dma_wait3A_363 = tpu.memref_slice %arg5[%add3A_359, %dma_wait3A_360, %dma_wait3A_361, %dma_wait3A_362] : memref<128x4x84x400xf32, #tpu.memory_space<hbm>> -> memref<1x1x84x400xf32, #tpu.memory_space<hbm>>
    %dma_wait3A_364 = tpu.memref_squeeze %dma_wait3A_363 : memref<1x1x84x400xf32, #tpu.memory_space<hbm>> -> memref<84x400xf32, #tpu.memory_space<hbm>>
    %dma_wait3A_365 = arith.constant 0 : i32
    %dma_wait3A_366 = arith.constant 0 : i32
    %dma_wait3A_367 = tpu.memref_slice %arg5[%add3A_359, %dma_wait3A_360, %dma_wait3A_365, %dma_wait3A_366] : memref<128x4x84x400xf32, #tpu.memory_space<hbm>> -> memref<1x1x84x400xf32, #tpu.memory_space<hbm>>
    %dma_wait3A_368 = tpu.memref_squeeze %dma_wait3A_367 : memref<1x1x84x400xf32, #tpu.memory_space<hbm>> -> memref<84x400xf32, #tpu.memory_space<hbm>>
    tpu.wait_dma2 semaphore(%arg12 : memref<!tpu.dma_semaphore, #tpu.memory_space<semaphore_mem>>) src(%arg8 : memref<84x400xf32, #tpu.memory_space<vmem>>) dst(%dma_wait3A_368 : memref<84x400xf32, #tpu.memory_space<hbm>>)
    %mul3A_369 = arith.constant 4 : i32
    %mul3A_370 = arith.muli %add3A, %mul3A_369 : i32
    %add3A_371 = arith.constant 1 : i32
    %add3A_372 = arith.addi %mul3A_370, %add3A_371 : i32
    %slice3A_373 = vector.extract_strided_slice %get3A_4 {offsets = [1], sizes = [1], strides = [1]} : vector<16xi32> to vector<1xi32>
    %squeeze3A_374 = vector.extract %slice3A_373[0] : i32 from vector<1xi32>
    %eq3A_375 = arith.constant 3 : i32
    %eq3A_376 = arith.cmpi eq, %squeeze3A_374, %eq3A_375 : i32
    %convert_element_type3A_377 = arith.extui %eq3A_376 : i1 to i32
    %cond3A_378 = arith.constant 0 : i32
    %cond3A_379 = arith.cmpi ne, %convert_element_type3A_377, %cond3A_378 : i32
    scf.if %cond3A_379 {
      %dma_start3A_877 = arith.constant 3 : i32
      %dma_start3A_878 = arith.constant 0 : i32
      %dma_start3A_879 = arith.constant 0 : i32
      %dma_start3A_880 = tpu.memref_slice %arg3[%add3A_372, %dma_start3A_877, %dma_start3A_878, %dma_start3A_879] : memref<128x4x84x400xf32, #tpu.memory_space<hbm>> -> memref<1x1x84x400xf32, #tpu.memory_space<hbm>>
      %dma_start3A_881 = tpu.memref_squeeze %dma_start3A_880 : memref<1x1x84x400xf32, #tpu.memory_space<hbm>> -> memref<84x400xf32, #tpu.memory_space<hbm>>
      %dma_start3A_882 = arith.constant 0 : i32
      %dma_start3A_883 = arith.constant 0 : i32
      %dma_start3A_884 = tpu.memref_slice %arg3[%add3A_372, %dma_start3A_877, %dma_start3A_882, %dma_start3A_883] : memref<128x4x84x400xf32, #tpu.memory_space<hbm>> -> memref<1x1x84x400xf32, #tpu.memory_space<hbm>>
      %dma_start3A_885 = tpu.memref_squeeze %dma_start3A_884 : memref<1x1x84x400xf32, #tpu.memory_space<hbm>> -> memref<84x400xf32, #tpu.memory_space<hbm>>
      tpu.enqueue_dma source(%dma_start3A_885 : memref<84x400xf32, #tpu.memory_space<hbm>>) target(%arg8 : memref<84x400xf32, #tpu.memory_space<vmem>>) target_semaphore(%arg10 : memref<!tpu.dma_semaphore, #tpu.memory_space<semaphore_mem>>)
    } else {
    }
    %ne3A_380 = arith.constant 3 : i32
    %ne3A_381 = arith.cmpi ne, %squeeze3A_374, %ne3A_380 : i32
    %convert_element_type3A_382 = arith.extui %ne3A_381 : i1 to i32
    %cond3A_383 = arith.constant 0 : i32
    %cond3A_384 = arith.cmpi ne, %convert_element_type3A_382, %cond3A_383 : i32
    scf.if %cond3A_384 {
      %dma_start3A_877 = arith.constant 3 : i32
      %dma_start3A_878 = arith.constant 0 : i32
      %dma_start3A_879 = arith.constant 0 : i32
      %dma_start3A_880 = tpu.memref_slice %arg2[%add3A_372, %dma_start3A_877, %dma_start3A_878, %dma_start3A_879] : memref<128x4x84x400xf32, #tpu.memory_space<hbm>> -> memref<1x1x84x400xf32, #tpu.memory_space<hbm>>
      %dma_start3A_881 = tpu.memref_squeeze %dma_start3A_880 : memref<1x1x84x400xf32, #tpu.memory_space<hbm>> -> memref<84x400xf32, #tpu.memory_space<hbm>>
      %dma_start3A_882 = arith.constant 0 : i32
      %dma_start3A_883 = arith.constant 0 : i32
      %dma_start3A_884 = tpu.memref_slice %arg2[%add3A_372, %dma_start3A_877, %dma_start3A_882, %dma_start3A_883] : memref<128x4x84x400xf32, #tpu.memory_space<hbm>> -> memref<1x1x84x400xf32, #tpu.memory_space<hbm>>
      %dma_start3A_885 = tpu.memref_squeeze %dma_start3A_884 : memref<1x1x84x400xf32, #tpu.memory_space<hbm>> -> memref<84x400xf32, #tpu.memory_space<hbm>>
      tpu.enqueue_dma source(%dma_start3A_885 : memref<84x400xf32, #tpu.memory_space<hbm>>) target(%arg8 : memref<84x400xf32, #tpu.memory_space<vmem>>) target_semaphore(%arg10 : memref<!tpu.dma_semaphore, #tpu.memory_space<semaphore_mem>>)
    } else {
    }
    %mul3A_385 = arith.constant 4 : i32
    %mul3A_386 = arith.muli %add3A, %mul3A_385 : i32
    %add3A_387 = arith.constant 1 : i32
    %add3A_388 = arith.addi %mul3A_386, %add3A_387 : i32
    %dma_wait3A_389 = arith.constant 3 : i32
    %dma_wait3A_390 = arith.constant 0 : i32
    %dma_wait3A_391 = arith.constant 0 : i32
    %dma_wait3A_392 = tpu.memref_slice %arg2[%add3A_388, %dma_wait3A_389, %dma_wait3A_390, %dma_wait3A_391] : memref<128x4x84x400xf32, #tpu.memory_space<hbm>> -> memref<1x1x84x400xf32, #tpu.memory_space<hbm>>
    %dma_wait3A_393 = tpu.memref_squeeze %dma_wait3A_392 : memref<1x1x84x400xf32, #tpu.memory_space<hbm>> -> memref<84x400xf32, #tpu.memory_space<hbm>>
    %dma_wait3A_394 = arith.constant 0 : i32
    %dma_wait3A_395 = arith.constant 0 : i32
    %dma_wait3A_396 = tpu.memref_slice %arg2[%add3A_388, %dma_wait3A_389, %dma_wait3A_394, %dma_wait3A_395] : memref<128x4x84x400xf32, #tpu.memory_space<hbm>> -> memref<1x1x84x400xf32, #tpu.memory_space<hbm>>
    %dma_wait3A_397 = tpu.memref_squeeze %dma_wait3A_396 : memref<1x1x84x400xf32, #tpu.memory_space<hbm>> -> memref<84x400xf32, #tpu.memory_space<hbm>>
    tpu.wait_dma2 semaphore(%arg10 : memref<!tpu.dma_semaphore, #tpu.memory_space<semaphore_mem>>) src(%dma_wait3A_397 : memref<84x400xf32, #tpu.memory_space<hbm>>) dst(%arg8 : memref<84x400xf32, #tpu.memory_space<vmem>>)
    %mul3A_398 = arith.constant 4 : i32
    %mul3A_399 = arith.muli %add3A, %mul3A_398 : i32
    %add3A_400 = arith.constant 1 : i32
    %add3A_401 = arith.addi %mul3A_399, %add3A_400 : i32
    %dma_start3A_402 = arith.constant 3 : i32
    %dma_start3A_403 = arith.constant 0 : i32
    %dma_start3A_404 = arith.constant 0 : i32
    %dma_start3A_405 = tpu.memref_slice %arg5[%add3A_401, %dma_start3A_402, %dma_start3A_403, %dma_start3A_404] : memref<128x4x84x400xf32, #tpu.memory_space<hbm>> -> memref<1x1x84x400xf32, #tpu.memory_space<hbm>>
    %dma_start3A_406 = tpu.memref_squeeze %dma_start3A_405 : memref<1x1x84x400xf32, #tpu.memory_space<hbm>> -> memref<84x400xf32, #tpu.memory_space<hbm>>
    %dma_start3A_407 = arith.constant 0 : i32
    %dma_start3A_408 = arith.constant 0 : i32
    %dma_start3A_409 = tpu.memref_slice %arg5[%add3A_401, %dma_start3A_402, %dma_start3A_407, %dma_start3A_408] : memref<128x4x84x400xf32, #tpu.memory_space<hbm>> -> memref<1x1x84x400xf32, #tpu.memory_space<hbm>>
    %dma_start3A_410 = tpu.memref_squeeze %dma_start3A_409 : memref<1x1x84x400xf32, #tpu.memory_space<hbm>> -> memref<84x400xf32, #tpu.memory_space<hbm>>
    tpu.enqueue_dma source(%arg8 : memref<84x400xf32, #tpu.memory_space<vmem>>) target(%dma_start3A_410 : memref<84x400xf32, #tpu.memory_space<hbm>>) target_semaphore(%arg12 : memref<!tpu.dma_semaphore, #tpu.memory_space<semaphore_mem>>)
    %mul3A_411 = arith.constant 4 : i32
    %mul3A_412 = arith.muli %add3A, %mul3A_411 : i32
    %add3A_413 = arith.constant 1 : i32
    %add3A_414 = arith.addi %mul3A_412, %add3A_413 : i32
    %dma_wait3A_415 = arith.constant 2 : i32
    %dma_wait3A_416 = arith.constant 0 : i32
    %dma_wait3A_417 = arith.constant 0 : i32
    %dma_wait3A_418 = tpu.memref_slice %arg5[%add3A_414, %dma_wait3A_415, %dma_wait3A_416, %dma_wait3A_417] : memref<128x4x84x400xf32, #tpu.memory_space<hbm>> -> memref<1x1x84x400xf32, #tpu.memory_space<hbm>>
    %dma_wait3A_419 = tpu.memref_squeeze %dma_wait3A_418 : memref<1x1x84x400xf32, #tpu.memory_space<hbm>> -> memref<84x400xf32, #tpu.memory_space<hbm>>
    %dma_wait3A_420 = arith.constant 0 : i32
    %dma_wait3A_421 = arith.constant 0 : i32
    %dma_wait3A_422 = tpu.memref_slice %arg5[%add3A_414, %dma_wait3A_415, %dma_wait3A_420, %dma_wait3A_421] : memref<128x4x84x400xf32, #tpu.memory_space<hbm>> -> memref<1x1x84x400xf32, #tpu.memory_space<hbm>>
    %dma_wait3A_423 = tpu.memref_squeeze %dma_wait3A_422 : memref<1x1x84x400xf32, #tpu.memory_space<hbm>> -> memref<84x400xf32, #tpu.memory_space<hbm>>
    tpu.wait_dma2 semaphore(%arg11 : memref<!tpu.dma_semaphore, #tpu.memory_space<semaphore_mem>>) src(%arg7 : memref<84x400xf32, #tpu.memory_space<vmem>>) dst(%dma_wait3A_423 : memref<84x400xf32, #tpu.memory_space<hbm>>)
    %mul3A_424 = arith.constant 4 : i32
    %mul3A_425 = arith.muli %add3A, %mul3A_424 : i32
    %add3A_426 = arith.constant 2 : i32
    %add3A_427 = arith.addi %mul3A_425, %add3A_426 : i32
    %slice3A_428 = vector.extract_strided_slice %get3A_4 {offsets = [2], sizes = [1], strides = [1]} : vector<16xi32> to vector<1xi32>
    %squeeze3A_429 = vector.extract %slice3A_428[0] : i32 from vector<1xi32>
    %eq3A_430 = arith.constant 0 : i32
    %eq3A_431 = arith.cmpi eq, %squeeze3A_429, %eq3A_430 : i32
    %convert_element_type3A_432 = arith.extui %eq3A_431 : i1 to i32
    %cond3A_433 = arith.constant 0 : i32
    %cond3A_434 = arith.cmpi ne, %convert_element_type3A_432, %cond3A_433 : i32
    scf.if %cond3A_434 {
      %dma_start3A_877 = arith.constant 0 : i32
      %dma_start3A_878 = arith.constant 0 : i32
      %dma_start3A_879 = arith.constant 0 : i32
      %dma_start3A_880 = tpu.memref_slice %arg3[%add3A_427, %dma_start3A_877, %dma_start3A_878, %dma_start3A_879] : memref<128x4x84x400xf32, #tpu.memory_space<hbm>> -> memref<1x1x84x400xf32, #tpu.memory_space<hbm>>
      %dma_start3A_881 = tpu.memref_squeeze %dma_start3A_880 : memref<1x1x84x400xf32, #tpu.memory_space<hbm>> -> memref<84x400xf32, #tpu.memory_space<hbm>>
      %dma_start3A_882 = arith.constant 0 : i32
      %dma_start3A_883 = arith.constant 0 : i32
      %dma_start3A_884 = tpu.memref_slice %arg3[%add3A_427, %dma_start3A_877, %dma_start3A_882, %dma_start3A_883] : memref<128x4x84x400xf32, #tpu.memory_space<hbm>> -> memref<1x1x84x400xf32, #tpu.memory_space<hbm>>
      %dma_start3A_885 = tpu.memref_squeeze %dma_start3A_884 : memref<1x1x84x400xf32, #tpu.memory_space<hbm>> -> memref<84x400xf32, #tpu.memory_space<hbm>>
      tpu.enqueue_dma source(%dma_start3A_885 : memref<84x400xf32, #tpu.memory_space<hbm>>) target(%arg7 : memref<84x400xf32, #tpu.memory_space<vmem>>) target_semaphore(%arg9 : memref<!tpu.dma_semaphore, #tpu.memory_space<semaphore_mem>>)
    } else {
    }
    %ne3A_435 = arith.constant 0 : i32
    %ne3A_436 = arith.cmpi ne, %squeeze3A_429, %ne3A_435 : i32
    %convert_element_type3A_437 = arith.extui %ne3A_436 : i1 to i32
    %cond3A_438 = arith.constant 0 : i32
    %cond3A_439 = arith.cmpi ne, %convert_element_type3A_437, %cond3A_438 : i32
    scf.if %cond3A_439 {
      %dma_start3A_877 = arith.constant 0 : i32
      %dma_start3A_878 = arith.constant 0 : i32
      %dma_start3A_879 = arith.constant 0 : i32
      %dma_start3A_880 = tpu.memref_slice %arg2[%add3A_427, %dma_start3A_877, %dma_start3A_878, %dma_start3A_879] : memref<128x4x84x400xf32, #tpu.memory_space<hbm>> -> memref<1x1x84x400xf32, #tpu.memory_space<hbm>>
      %dma_start3A_881 = tpu.memref_squeeze %dma_start3A_880 : memref<1x1x84x400xf32, #tpu.memory_space<hbm>> -> memref<84x400xf32, #tpu.memory_space<hbm>>
      %dma_start3A_882 = arith.constant 0 : i32
      %dma_start3A_883 = arith.constant 0 : i32
      %dma_start3A_884 = tpu.memref_slice %arg2[%add3A_427, %dma_start3A_877, %dma_start3A_882, %dma_start3A_883] : memref<128x4x84x400xf32, #tpu.memory_space<hbm>> -> memref<1x1x84x400xf32, #tpu.memory_space<hbm>>
      %dma_start3A_885 = tpu.memref_squeeze %dma_start3A_884 : memref<1x1x84x400xf32, #tpu.memory_space<hbm>> -> memref<84x400xf32, #tpu.memory_space<hbm>>
      tpu.enqueue_dma source(%dma_start3A_885 : memref<84x400xf32, #tpu.memory_space<hbm>>) target(%arg7 : memref<84x400xf32, #tpu.memory_space<vmem>>) target_semaphore(%arg9 : memref<!tpu.dma_semaphore, #tpu.memory_space<semaphore_mem>>)
    } else {
    }
    %mul3A_440 = arith.constant 4 : i32
    %mul3A_441 = arith.muli %add3A, %mul3A_440 : i32
    %add3A_442 = arith.constant 2 : i32
    %add3A_443 = arith.addi %mul3A_441, %add3A_442 : i32
    %dma_wait3A_444 = arith.constant 0 : i32
    %dma_wait3A_445 = arith.constant 0 : i32
    %dma_wait3A_446 = arith.constant 0 : i32
    %dma_wait3A_447 = tpu.memref_slice %arg2[%add3A_443, %dma_wait3A_444, %dma_wait3A_445, %dma_wait3A_446] : memref<128x4x84x400xf32, #tpu.memory_space<hbm>> -> memref<1x1x84x400xf32, #tpu.memory_space<hbm>>
    %dma_wait3A_448 = tpu.memref_squeeze %dma_wait3A_447 : memref<1x1x84x400xf32, #tpu.memory_space<hbm>> -> memref<84x400xf32, #tpu.memory_space<hbm>>
    %dma_wait3A_449 = arith.constant 0 : i32
    %dma_wait3A_450 = arith.constant 0 : i32
    %dma_wait3A_451 = tpu.memref_slice %arg2[%add3A_443, %dma_wait3A_444, %dma_wait3A_449, %dma_wait3A_450] : memref<128x4x84x400xf32, #tpu.memory_space<hbm>> -> memref<1x1x84x400xf32, #tpu.memory_space<hbm>>
    %dma_wait3A_452 = tpu.memref_squeeze %dma_wait3A_451 : memref<1x1x84x400xf32, #tpu.memory_space<hbm>> -> memref<84x400xf32, #tpu.memory_space<hbm>>
    tpu.wait_dma2 semaphore(%arg9 : memref<!tpu.dma_semaphore, #tpu.memory_space<semaphore_mem>>) src(%dma_wait3A_452 : memref<84x400xf32, #tpu.memory_space<hbm>>) dst(%arg7 : memref<84x400xf32, #tpu.memory_space<vmem>>)
    %mul3A_453 = arith.constant 4 : i32
    %mul3A_454 = arith.muli %add3A, %mul3A_453 : i32
    %add3A_455 = arith.constant 2 : i32
    %add3A_456 = arith.addi %mul3A_454, %add3A_455 : i32
    %dma_start3A_457 = arith.constant 0 : i32
    %dma_start3A_458 = arith.constant 0 : i32
    %dma_start3A_459 = arith.constant 0 : i32
    %dma_start3A_460 = tpu.memref_slice %arg5[%add3A_456, %dma_start3A_457, %dma_start3A_458, %dma_start3A_459] : memref<128x4x84x400xf32, #tpu.memory_space<hbm>> -> memref<1x1x84x400xf32, #tpu.memory_space<hbm>>
    %dma_start3A_461 = tpu.memref_squeeze %dma_start3A_460 : memref<1x1x84x400xf32, #tpu.memory_space<hbm>> -> memref<84x400xf32, #tpu.memory_space<hbm>>
    %dma_start3A_462 = arith.constant 0 : i32
    %dma_start3A_463 = arith.constant 0 : i32
    %dma_start3A_464 = tpu.memref_slice %arg5[%add3A_456, %dma_start3A_457, %dma_start3A_462, %dma_start3A_463] : memref<128x4x84x400xf32, #tpu.memory_space<hbm>> -> memref<1x1x84x400xf32, #tpu.memory_space<hbm>>
    %dma_start3A_465 = tpu.memref_squeeze %dma_start3A_464 : memref<1x1x84x400xf32, #tpu.memory_space<hbm>> -> memref<84x400xf32, #tpu.memory_space<hbm>>
    tpu.enqueue_dma source(%arg7 : memref<84x400xf32, #tpu.memory_space<vmem>>) target(%dma_start3A_465 : memref<84x400xf32, #tpu.memory_space<hbm>>) target_semaphore(%arg11 : memref<!tpu.dma_semaphore, #tpu.memory_space<semaphore_mem>>)
    %mul3A_466 = arith.constant 4 : i32
    %mul3A_467 = arith.muli %add3A, %mul3A_466 : i32
    %add3A_468 = arith.constant 1 : i32
    %add3A_469 = arith.addi %mul3A_467, %add3A_468 : i32
    %dma_wait3A_470 = arith.constant 3 : i32
    %dma_wait3A_471 = arith.constant 0 : i32
    %dma_wait3A_472 = arith.constant 0 : i32
    %dma_wait3A_473 = tpu.memref_slice %arg5[%add3A_469, %dma_wait3A_470, %dma_wait3A_471, %dma_wait3A_472] : memref<128x4x84x400xf32, #tpu.memory_space<hbm>> -> memref<1x1x84x400xf32, #tpu.memory_space<hbm>>
    %dma_wait3A_474 = tpu.memref_squeeze %dma_wait3A_473 : memref<1x1x84x400xf32, #tpu.memory_space<hbm>> -> memref<84x400xf32, #tpu.memory_space<hbm>>
    %dma_wait3A_475 = arith.constant 0 : i32
    %dma_wait3A_476 = arith.constant 0 : i32
    %dma_wait3A_477 = tpu.memref_slice %arg5[%add3A_469, %dma_wait3A_470, %dma_wait3A_475, %dma_wait3A_476] : memref<128x4x84x400xf32, #tpu.memory_space<hbm>> -> memref<1x1x84x400xf32, #tpu.memory_space<hbm>>
    %dma_wait3A_478 = tpu.memref_squeeze %dma_wait3A_477 : memref<1x1x84x400xf32, #tpu.memory_space<hbm>> -> memref<84x400xf32, #tpu.memory_space<hbm>>
    tpu.wait_dma2 semaphore(%arg12 : memref<!tpu.dma_semaphore, #tpu.memory_space<semaphore_mem>>) src(%arg8 : memref<84x400xf32, #tpu.memory_space<vmem>>) dst(%dma_wait3A_478 : memref<84x400xf32, #tpu.memory_space<hbm>>)
    %mul3A_479 = arith.constant 4 : i32
    %mul3A_480 = arith.muli %add3A, %mul3A_479 : i32
    %add3A_481 = arith.constant 2 : i32
    %add3A_482 = arith.addi %mul3A_480, %add3A_481 : i32
    %slice3A_483 = vector.extract_strided_slice %get3A_4 {offsets = [2], sizes = [1], strides = [1]} : vector<16xi32> to vector<1xi32>
    %squeeze3A_484 = vector.extract %slice3A_483[0] : i32 from vector<1xi32>
    %eq3A_485 = arith.constant 1 : i32
    %eq3A_486 = arith.cmpi eq, %squeeze3A_484, %eq3A_485 : i32
    %convert_element_type3A_487 = arith.extui %eq3A_486 : i1 to i32
    %cond3A_488 = arith.constant 0 : i32
    %cond3A_489 = arith.cmpi ne, %convert_element_type3A_487, %cond3A_488 : i32
    scf.if %cond3A_489 {
      %dma_start3A_877 = arith.constant 1 : i32
      %dma_start3A_878 = arith.constant 0 : i32
      %dma_start3A_879 = arith.constant 0 : i32
      %dma_start3A_880 = tpu.memref_slice %arg3[%add3A_482, %dma_start3A_877, %dma_start3A_878, %dma_start3A_879] : memref<128x4x84x400xf32, #tpu.memory_space<hbm>> -> memref<1x1x84x400xf32, #tpu.memory_space<hbm>>
      %dma_start3A_881 = tpu.memref_squeeze %dma_start3A_880 : memref<1x1x84x400xf32, #tpu.memory_space<hbm>> -> memref<84x400xf32, #tpu.memory_space<hbm>>
      %dma_start3A_882 = arith.constant 0 : i32
      %dma_start3A_883 = arith.constant 0 : i32
      %dma_start3A_884 = tpu.memref_slice %arg3[%add3A_482, %dma_start3A_877, %dma_start3A_882, %dma_start3A_883] : memref<128x4x84x400xf32, #tpu.memory_space<hbm>> -> memref<1x1x84x400xf32, #tpu.memory_space<hbm>>
      %dma_start3A_885 = tpu.memref_squeeze %dma_start3A_884 : memref<1x1x84x400xf32, #tpu.memory_space<hbm>> -> memref<84x400xf32, #tpu.memory_space<hbm>>
      tpu.enqueue_dma source(%dma_start3A_885 : memref<84x400xf32, #tpu.memory_space<hbm>>) target(%arg8 : memref<84x400xf32, #tpu.memory_space<vmem>>) target_semaphore(%arg10 : memref<!tpu.dma_semaphore, #tpu.memory_space<semaphore_mem>>)
    } else {
    }
    %ne3A_490 = arith.constant 1 : i32
    %ne3A_491 = arith.cmpi ne, %squeeze3A_484, %ne3A_490 : i32
    %convert_element_type3A_492 = arith.extui %ne3A_491 : i1 to i32
    %cond3A_493 = arith.constant 0 : i32
    %cond3A_494 = arith.cmpi ne, %convert_element_type3A_492, %cond3A_493 : i32
    scf.if %cond3A_494 {
      %dma_start3A_877 = arith.constant 1 : i32
      %dma_start3A_878 = arith.constant 0 : i32
      %dma_start3A_879 = arith.constant 0 : i32
      %dma_start3A_880 = tpu.memref_slice %arg2[%add3A_482, %dma_start3A_877, %dma_start3A_878, %dma_start3A_879] : memref<128x4x84x400xf32, #tpu.memory_space<hbm>> -> memref<1x1x84x400xf32, #tpu.memory_space<hbm>>
      %dma_start3A_881 = tpu.memref_squeeze %dma_start3A_880 : memref<1x1x84x400xf32, #tpu.memory_space<hbm>> -> memref<84x400xf32, #tpu.memory_space<hbm>>
      %dma_start3A_882 = arith.constant 0 : i32
      %dma_start3A_883 = arith.constant 0 : i32
      %dma_start3A_884 = tpu.memref_slice %arg2[%add3A_482, %dma_start3A_877, %dma_start3A_882, %dma_start3A_883] : memref<128x4x84x400xf32, #tpu.memory_space<hbm>> -> memref<1x1x84x400xf32, #tpu.memory_space<hbm>>
      %dma_start3A_885 = tpu.memref_squeeze %dma_start3A_884 : memref<1x1x84x400xf32, #tpu.memory_space<hbm>> -> memref<84x400xf32, #tpu.memory_space<hbm>>
      tpu.enqueue_dma source(%dma_start3A_885 : memref<84x400xf32, #tpu.memory_space<hbm>>) target(%arg8 : memref<84x400xf32, #tpu.memory_space<vmem>>) target_semaphore(%arg10 : memref<!tpu.dma_semaphore, #tpu.memory_space<semaphore_mem>>)
    } else {
    }
    %mul3A_495 = arith.constant 4 : i32
    %mul3A_496 = arith.muli %add3A, %mul3A_495 : i32
    %add3A_497 = arith.constant 2 : i32
    %add3A_498 = arith.addi %mul3A_496, %add3A_497 : i32
    %dma_wait3A_499 = arith.constant 1 : i32
    %dma_wait3A_500 = arith.constant 0 : i32
    %dma_wait3A_501 = arith.constant 0 : i32
    %dma_wait3A_502 = tpu.memref_slice %arg2[%add3A_498, %dma_wait3A_499, %dma_wait3A_500, %dma_wait3A_501] : memref<128x4x84x400xf32, #tpu.memory_space<hbm>> -> memref<1x1x84x400xf32, #tpu.memory_space<hbm>>
    %dma_wait3A_503 = tpu.memref_squeeze %dma_wait3A_502 : memref<1x1x84x400xf32, #tpu.memory_space<hbm>> -> memref<84x400xf32, #tpu.memory_space<hbm>>
    %dma_wait3A_504 = arith.constant 0 : i32
    %dma_wait3A_505 = arith.constant 0 : i32
    %dma_wait3A_506 = tpu.memref_slice %arg2[%add3A_498, %dma_wait3A_499, %dma_wait3A_504, %dma_wait3A_505] : memref<128x4x84x400xf32, #tpu.memory_space<hbm>> -> memref<1x1x84x400xf32, #tpu.memory_space<hbm>>
    %dma_wait3A_507 = tpu.memref_squeeze %dma_wait3A_506 : memref<1x1x84x400xf32, #tpu.memory_space<hbm>> -> memref<84x400xf32, #tpu.memory_space<hbm>>
    tpu.wait_dma2 semaphore(%arg10 : memref<!tpu.dma_semaphore, #tpu.memory_space<semaphore_mem>>) src(%dma_wait3A_507 : memref<84x400xf32, #tpu.memory_space<hbm>>) dst(%arg8 : memref<84x400xf32, #tpu.memory_space<vmem>>)
    %mul3A_508 = arith.constant 4 : i32
    %mul3A_509 = arith.muli %add3A, %mul3A_508 : i32
    %add3A_510 = arith.constant 2 : i32
    %add3A_511 = arith.addi %mul3A_509, %add3A_510 : i32
    %dma_start3A_512 = arith.constant 1 : i32
    %dma_start3A_513 = arith.constant 0 : i32
    %dma_start3A_514 = arith.constant 0 : i32
    %dma_start3A_515 = tpu.memref_slice %arg5[%add3A_511, %dma_start3A_512, %dma_start3A_513, %dma_start3A_514] : memref<128x4x84x400xf32, #tpu.memory_space<hbm>> -> memref<1x1x84x400xf32, #tpu.memory_space<hbm>>
    %dma_start3A_516 = tpu.memref_squeeze %dma_start3A_515 : memref<1x1x84x400xf32, #tpu.memory_space<hbm>> -> memref<84x400xf32, #tpu.memory_space<hbm>>
    %dma_start3A_517 = arith.constant 0 : i32
    %dma_start3A_518 = arith.constant 0 : i32
    %dma_start3A_519 = tpu.memref_slice %arg5[%add3A_511, %dma_start3A_512, %dma_start3A_517, %dma_start3A_518] : memref<128x4x84x400xf32, #tpu.memory_space<hbm>> -> memref<1x1x84x400xf32, #tpu.memory_space<hbm>>
    %dma_start3A_520 = tpu.memref_squeeze %dma_start3A_519 : memref<1x1x84x400xf32, #tpu.memory_space<hbm>> -> memref<84x400xf32, #tpu.memory_space<hbm>>
    tpu.enqueue_dma source(%arg8 : memref<84x400xf32, #tpu.memory_space<vmem>>) target(%dma_start3A_520 : memref<84x400xf32, #tpu.memory_space<hbm>>) target_semaphore(%arg12 : memref<!tpu.dma_semaphore, #tpu.memory_space<semaphore_mem>>)
    %mul3A_521 = arith.constant 4 : i32
    %mul3A_522 = arith.muli %add3A, %mul3A_521 : i32
    %add3A_523 = arith.constant 2 : i32
    %add3A_524 = arith.addi %mul3A_522, %add3A_523 : i32
    %dma_wait3A_525 = arith.constant 0 : i32
    %dma_wait3A_526 = arith.constant 0 : i32
    %dma_wait3A_527 = arith.constant 0 : i32
    %dma_wait3A_528 = tpu.memref_slice %arg5[%add3A_524, %dma_wait3A_525, %dma_wait3A_526, %dma_wait3A_527] : memref<128x4x84x400xf32, #tpu.memory_space<hbm>> -> memref<1x1x84x400xf32, #tpu.memory_space<hbm>>
    %dma_wait3A_529 = tpu.memref_squeeze %dma_wait3A_528 : memref<1x1x84x400xf32, #tpu.memory_space<hbm>> -> memref<84x400xf32, #tpu.memory_space<hbm>>
    %dma_wait3A_530 = arith.constant 0 : i32
    %dma_wait3A_531 = arith.constant 0 : i32
    %dma_wait3A_532 = tpu.memref_slice %arg5[%add3A_524, %dma_wait3A_525, %dma_wait3A_530, %dma_wait3A_531] : memref<128x4x84x400xf32, #tpu.memory_space<hbm>> -> memref<1x1x84x400xf32, #tpu.memory_space<hbm>>
    %dma_wait3A_533 = tpu.memref_squeeze %dma_wait3A_532 : memref<1x1x84x400xf32, #tpu.memory_space<hbm>> -> memref<84x400xf32, #tpu.memory_space<hbm>>
    tpu.wait_dma2 semaphore(%arg11 : memref<!tpu.dma_semaphore, #tpu.memory_space<semaphore_mem>>) src(%arg7 : memref<84x400xf32, #tpu.memory_space<vmem>>) dst(%dma_wait3A_533 : memref<84x400xf32, #tpu.memory_space<hbm>>)
    %mul3A_534 = arith.constant 4 : i32
    %mul3A_535 = arith.muli %add3A, %mul3A_534 : i32
    %add3A_536 = arith.constant 2 : i32
    %add3A_537 = arith.addi %mul3A_535, %add3A_536 : i32
    %slice3A_538 = vector.extract_strided_slice %get3A_4 {offsets = [2], sizes = [1], strides = [1]} : vector<16xi32> to vector<1xi32>
    %squeeze3A_539 = vector.extract %slice3A_538[0] : i32 from vector<1xi32>
    %eq3A_540 = arith.constant 2 : i32
    %eq3A_541 = arith.cmpi eq, %squeeze3A_539, %eq3A_540 : i32
    %convert_element_type3A_542 = arith.extui %eq3A_541 : i1 to i32
    %cond3A_543 = arith.constant 0 : i32
    %cond3A_544 = arith.cmpi ne, %convert_element_type3A_542, %cond3A_543 : i32
    scf.if %cond3A_544 {
      %dma_start3A_877 = arith.constant 2 : i32
      %dma_start3A_878 = arith.constant 0 : i32
      %dma_start3A_879 = arith.constant 0 : i32
      %dma_start3A_880 = tpu.memref_slice %arg3[%add3A_537, %dma_start3A_877, %dma_start3A_878, %dma_start3A_879] : memref<128x4x84x400xf32, #tpu.memory_space<hbm>> -> memref<1x1x84x400xf32, #tpu.memory_space<hbm>>
      %dma_start3A_881 = tpu.memref_squeeze %dma_start3A_880 : memref<1x1x84x400xf32, #tpu.memory_space<hbm>> -> memref<84x400xf32, #tpu.memory_space<hbm>>
      %dma_start3A_882 = arith.constant 0 : i32
      %dma_start3A_883 = arith.constant 0 : i32
      %dma_start3A_884 = tpu.memref_slice %arg3[%add3A_537, %dma_start3A_877, %dma_start3A_882, %dma_start3A_883] : memref<128x4x84x400xf32, #tpu.memory_space<hbm>> -> memref<1x1x84x400xf32, #tpu.memory_space<hbm>>
      %dma_start3A_885 = tpu.memref_squeeze %dma_start3A_884 : memref<1x1x84x400xf32, #tpu.memory_space<hbm>> -> memref<84x400xf32, #tpu.memory_space<hbm>>
      tpu.enqueue_dma source(%dma_start3A_885 : memref<84x400xf32, #tpu.memory_space<hbm>>) target(%arg7 : memref<84x400xf32, #tpu.memory_space<vmem>>) target_semaphore(%arg9 : memref<!tpu.dma_semaphore, #tpu.memory_space<semaphore_mem>>)
    } else {
    }
    %ne3A_545 = arith.constant 2 : i32
    %ne3A_546 = arith.cmpi ne, %squeeze3A_539, %ne3A_545 : i32
    %convert_element_type3A_547 = arith.extui %ne3A_546 : i1 to i32
    %cond3A_548 = arith.constant 0 : i32
    %cond3A_549 = arith.cmpi ne, %convert_element_type3A_547, %cond3A_548 : i32
    scf.if %cond3A_549 {
      %dma_start3A_877 = arith.constant 2 : i32
      %dma_start3A_878 = arith.constant 0 : i32
      %dma_start3A_879 = arith.constant 0 : i32
      %dma_start3A_880 = tpu.memref_slice %arg2[%add3A_537, %dma_start3A_877, %dma_start3A_878, %dma_start3A_879] : memref<128x4x84x400xf32, #tpu.memory_space<hbm>> -> memref<1x1x84x400xf32, #tpu.memory_space<hbm>>
      %dma_start3A_881 = tpu.memref_squeeze %dma_start3A_880 : memref<1x1x84x400xf32, #tpu.memory_space<hbm>> -> memref<84x400xf32, #tpu.memory_space<hbm>>
      %dma_start3A_882 = arith.constant 0 : i32
      %dma_start3A_883 = arith.constant 0 : i32
      %dma_start3A_884 = tpu.memref_slice %arg2[%add3A_537, %dma_start3A_877, %dma_start3A_882, %dma_start3A_883] : memref<128x4x84x400xf32, #tpu.memory_space<hbm>> -> memref<1x1x84x400xf32, #tpu.memory_space<hbm>>
      %dma_start3A_885 = tpu.memref_squeeze %dma_start3A_884 : memref<1x1x84x400xf32, #tpu.memory_space<hbm>> -> memref<84x400xf32, #tpu.memory_space<hbm>>
      tpu.enqueue_dma source(%dma_start3A_885 : memref<84x400xf32, #tpu.memory_space<hbm>>) target(%arg7 : memref<84x400xf32, #tpu.memory_space<vmem>>) target_semaphore(%arg9 : memref<!tpu.dma_semaphore, #tpu.memory_space<semaphore_mem>>)
    } else {
    }
    %mul3A_550 = arith.constant 4 : i32
    %mul3A_551 = arith.muli %add3A, %mul3A_550 : i32
    %add3A_552 = arith.constant 2 : i32
    %add3A_553 = arith.addi %mul3A_551, %add3A_552 : i32
    %dma_wait3A_554 = arith.constant 2 : i32
    %dma_wait3A_555 = arith.constant 0 : i32
    %dma_wait3A_556 = arith.constant 0 : i32
    %dma_wait3A_557 = tpu.memref_slice %arg2[%add3A_553, %dma_wait3A_554, %dma_wait3A_555, %dma_wait3A_556] : memref<128x4x84x400xf32, #tpu.memory_space<hbm>> -> memref<1x1x84x400xf32, #tpu.memory_space<hbm>>
    %dma_wait3A_558 = tpu.memref_squeeze %dma_wait3A_557 : memref<1x1x84x400xf32, #tpu.memory_space<hbm>> -> memref<84x400xf32, #tpu.memory_space<hbm>>
    %dma_wait3A_559 = arith.constant 0 : i32
    %dma_wait3A_560 = arith.constant 0 : i32
    %dma_wait3A_561 = tpu.memref_slice %arg2[%add3A_553, %dma_wait3A_554, %dma_wait3A_559, %dma_wait3A_560] : memref<128x4x84x400xf32, #tpu.memory_space<hbm>> -> memref<1x1x84x400xf32, #tpu.memory_space<hbm>>
    %dma_wait3A_562 = tpu.memref_squeeze %dma_wait3A_561 : memref<1x1x84x400xf32, #tpu.memory_space<hbm>> -> memref<84x400xf32, #tpu.memory_space<hbm>>
    tpu.wait_dma2 semaphore(%arg9 : memref<!tpu.dma_semaphore, #tpu.memory_space<semaphore_mem>>) src(%dma_wait3A_562 : memref<84x400xf32, #tpu.memory_space<hbm>>) dst(%arg7 : memref<84x400xf32, #tpu.memory_space<vmem>>)
    %mul3A_563 = arith.constant 4 : i32
    %mul3A_564 = arith.muli %add3A, %mul3A_563 : i32
    %add3A_565 = arith.constant 2 : i32
    %add3A_566 = arith.addi %mul3A_564, %add3A_565 : i32
    %dma_start3A_567 = arith.constant 2 : i32
    %dma_start3A_568 = arith.constant 0 : i32
    %dma_start3A_569 = arith.constant 0 : i32
    %dma_start3A_570 = tpu.memref_slice %arg5[%add3A_566, %dma_start3A_567, %dma_start3A_568, %dma_start3A_569] : memref<128x4x84x400xf32, #tpu.memory_space<hbm>> -> memref<1x1x84x400xf32, #tpu.memory_space<hbm>>
    %dma_start3A_571 = tpu.memref_squeeze %dma_start3A_570 : memref<1x1x84x400xf32, #tpu.memory_space<hbm>> -> memref<84x400xf32, #tpu.memory_space<hbm>>
    %dma_start3A_572 = arith.constant 0 : i32
    %dma_start3A_573 = arith.constant 0 : i32
    %dma_start3A_574 = tpu.memref_slice %arg5[%add3A_566, %dma_start3A_567, %dma_start3A_572, %dma_start3A_573] : memref<128x4x84x400xf32, #tpu.memory_space<hbm>> -> memref<1x1x84x400xf32, #tpu.memory_space<hbm>>
    %dma_start3A_575 = tpu.memref_squeeze %dma_start3A_574 : memref<1x1x84x400xf32, #tpu.memory_space<hbm>> -> memref<84x400xf32, #tpu.memory_space<hbm>>
    tpu.enqueue_dma source(%arg7 : memref<84x400xf32, #tpu.memory_space<vmem>>) target(%dma_start3A_575 : memref<84x400xf32, #tpu.memory_space<hbm>>) target_semaphore(%arg11 : memref<!tpu.dma_semaphore, #tpu.memory_space<semaphore_mem>>)
    %mul3A_576 = arith.constant 4 : i32
    %mul3A_577 = arith.muli %add3A, %mul3A_576 : i32
    %add3A_578 = arith.constant 2 : i32
    %add3A_579 = arith.addi %mul3A_577, %add3A_578 : i32
    %dma_wait3A_580 = arith.constant 1 : i32
    %dma_wait3A_581 = arith.constant 0 : i32
    %dma_wait3A_582 = arith.constant 0 : i32
    %dma_wait3A_583 = tpu.memref_slice %arg5[%add3A_579, %dma_wait3A_580, %dma_wait3A_581, %dma_wait3A_582] : memref<128x4x84x400xf32, #tpu.memory_space<hbm>> -> memref<1x1x84x400xf32, #tpu.memory_space<hbm>>
    %dma_wait3A_584 = tpu.memref_squeeze %dma_wait3A_583 : memref<1x1x84x400xf32, #tpu.memory_space<hbm>> -> memref<84x400xf32, #tpu.memory_space<hbm>>
    %dma_wait3A_585 = arith.constant 0 : i32
    %dma_wait3A_586 = arith.constant 0 : i32
    %dma_wait3A_587 = tpu.memref_slice %arg5[%add3A_579, %dma_wait3A_580, %dma_wait3A_585, %dma_wait3A_586] : memref<128x4x84x400xf32, #tpu.memory_space<hbm>> -> memref<1x1x84x400xf32, #tpu.memory_space<hbm>>
    %dma_wait3A_588 = tpu.memref_squeeze %dma_wait3A_587 : memref<1x1x84x400xf32, #tpu.memory_space<hbm>> -> memref<84x400xf32, #tpu.memory_space<hbm>>
    tpu.wait_dma2 semaphore(%arg12 : memref<!tpu.dma_semaphore, #tpu.memory_space<semaphore_mem>>) src(%arg8 : memref<84x400xf32, #tpu.memory_space<vmem>>) dst(%dma_wait3A_588 : memref<84x400xf32, #tpu.memory_space<hbm>>)
    %mul3A_589 = arith.constant 4 : i32
    %mul3A_590 = arith.muli %add3A, %mul3A_589 : i32
    %add3A_591 = arith.constant 2 : i32
    %add3A_592 = arith.addi %mul3A_590, %add3A_591 : i32
    %slice3A_593 = vector.extract_strided_slice %get3A_4 {offsets = [2], sizes = [1], strides = [1]} : vector<16xi32> to vector<1xi32>
    %squeeze3A_594 = vector.extract %slice3A_593[0] : i32 from vector<1xi32>
    %eq3A_595 = arith.constant 3 : i32
    %eq3A_596 = arith.cmpi eq, %squeeze3A_594, %eq3A_595 : i32
    %convert_element_type3A_597 = arith.extui %eq3A_596 : i1 to i32
    %cond3A_598 = arith.constant 0 : i32
    %cond3A_599 = arith.cmpi ne, %convert_element_type3A_597, %cond3A_598 : i32
    scf.if %cond3A_599 {
      %dma_start3A_877 = arith.constant 3 : i32
      %dma_start3A_878 = arith.constant 0 : i32
      %dma_start3A_879 = arith.constant 0 : i32
      %dma_start3A_880 = tpu.memref_slice %arg3[%add3A_592, %dma_start3A_877, %dma_start3A_878, %dma_start3A_879] : memref<128x4x84x400xf32, #tpu.memory_space<hbm>> -> memref<1x1x84x400xf32, #tpu.memory_space<hbm>>
      %dma_start3A_881 = tpu.memref_squeeze %dma_start3A_880 : memref<1x1x84x400xf32, #tpu.memory_space<hbm>> -> memref<84x400xf32, #tpu.memory_space<hbm>>
      %dma_start3A_882 = arith.constant 0 : i32
      %dma_start3A_883 = arith.constant 0 : i32
      %dma_start3A_884 = tpu.memref_slice %arg3[%add3A_592, %dma_start3A_877, %dma_start3A_882, %dma_start3A_883] : memref<128x4x84x400xf32, #tpu.memory_space<hbm>> -> memref<1x1x84x400xf32, #tpu.memory_space<hbm>>
      %dma_start3A_885 = tpu.memref_squeeze %dma_start3A_884 : memref<1x1x84x400xf32, #tpu.memory_space<hbm>> -> memref<84x400xf32, #tpu.memory_space<hbm>>
      tpu.enqueue_dma source(%dma_start3A_885 : memref<84x400xf32, #tpu.memory_space<hbm>>) target(%arg8 : memref<84x400xf32, #tpu.memory_space<vmem>>) target_semaphore(%arg10 : memref<!tpu.dma_semaphore, #tpu.memory_space<semaphore_mem>>)
    } else {
    }
    %ne3A_600 = arith.constant 3 : i32
    %ne3A_601 = arith.cmpi ne, %squeeze3A_594, %ne3A_600 : i32
    %convert_element_type3A_602 = arith.extui %ne3A_601 : i1 to i32
    %cond3A_603 = arith.constant 0 : i32
    %cond3A_604 = arith.cmpi ne, %convert_element_type3A_602, %cond3A_603 : i32
    scf.if %cond3A_604 {
      %dma_start3A_877 = arith.constant 3 : i32
      %dma_start3A_878 = arith.constant 0 : i32
      %dma_start3A_879 = arith.constant 0 : i32
      %dma_start3A_880 = tpu.memref_slice %arg2[%add3A_592, %dma_start3A_877, %dma_start3A_878, %dma_start3A_879] : memref<128x4x84x400xf32, #tpu.memory_space<hbm>> -> memref<1x1x84x400xf32, #tpu.memory_space<hbm>>
      %dma_start3A_881 = tpu.memref_squeeze %dma_start3A_880 : memref<1x1x84x400xf32, #tpu.memory_space<hbm>> -> memref<84x400xf32, #tpu.memory_space<hbm>>
      %dma_start3A_882 = arith.constant 0 : i32
      %dma_start3A_883 = arith.constant 0 : i32
      %dma_start3A_884 = tpu.memref_slice %arg2[%add3A_592, %dma_start3A_877, %dma_start3A_882, %dma_start3A_883] : memref<128x4x84x400xf32, #tpu.memory_space<hbm>> -> memref<1x1x84x400xf32, #tpu.memory_space<hbm>>
      %dma_start3A_885 = tpu.memref_squeeze %dma_start3A_884 : memref<1x1x84x400xf32, #tpu.memory_space<hbm>> -> memref<84x400xf32, #tpu.memory_space<hbm>>
      tpu.enqueue_dma source(%dma_start3A_885 : memref<84x400xf32, #tpu.memory_space<hbm>>) target(%arg8 : memref<84x400xf32, #tpu.memory_space<vmem>>) target_semaphore(%arg10 : memref<!tpu.dma_semaphore, #tpu.memory_space<semaphore_mem>>)
    } else {
    }
    %mul3A_605 = arith.constant 4 : i32
    %mul3A_606 = arith.muli %add3A, %mul3A_605 : i32
    %add3A_607 = arith.constant 2 : i32
    %add3A_608 = arith.addi %mul3A_606, %add3A_607 : i32
    %dma_wait3A_609 = arith.constant 3 : i32
    %dma_wait3A_610 = arith.constant 0 : i32
    %dma_wait3A_611 = arith.constant 0 : i32
    %dma_wait3A_612 = tpu.memref_slice %arg2[%add3A_608, %dma_wait3A_609, %dma_wait3A_610, %dma_wait3A_611] : memref<128x4x84x400xf32, #tpu.memory_space<hbm>> -> memref<1x1x84x400xf32, #tpu.memory_space<hbm>>
    %dma_wait3A_613 = tpu.memref_squeeze %dma_wait3A_612 : memref<1x1x84x400xf32, #tpu.memory_space<hbm>> -> memref<84x400xf32, #tpu.memory_space<hbm>>
    %dma_wait3A_614 = arith.constant 0 : i32
    %dma_wait3A_615 = arith.constant 0 : i32
    %dma_wait3A_616 = tpu.memref_slice %arg2[%add3A_608, %dma_wait3A_609, %dma_wait3A_614, %dma_wait3A_615] : memref<128x4x84x400xf32, #tpu.memory_space<hbm>> -> memref<1x1x84x400xf32, #tpu.memory_space<hbm>>
    %dma_wait3A_617 = tpu.memref_squeeze %dma_wait3A_616 : memref<1x1x84x400xf32, #tpu.memory_space<hbm>> -> memref<84x400xf32, #tpu.memory_space<hbm>>
    tpu.wait_dma2 semaphore(%arg10 : memref<!tpu.dma_semaphore, #tpu.memory_space<semaphore_mem>>) src(%dma_wait3A_617 : memref<84x400xf32, #tpu.memory_space<hbm>>) dst(%arg8 : memref<84x400xf32, #tpu.memory_space<vmem>>)
    %mul3A_618 = arith.constant 4 : i32
    %mul3A_619 = arith.muli %add3A, %mul3A_618 : i32
    %add3A_620 = arith.constant 2 : i32
    %add3A_621 = arith.addi %mul3A_619, %add3A_620 : i32
    %dma_start3A_622 = arith.constant 3 : i32
    %dma_start3A_623 = arith.constant 0 : i32
    %dma_start3A_624 = arith.constant 0 : i32
    %dma_start3A_625 = tpu.memref_slice %arg5[%add3A_621, %dma_start3A_622, %dma_start3A_623, %dma_start3A_624] : memref<128x4x84x400xf32, #tpu.memory_space<hbm>> -> memref<1x1x84x400xf32, #tpu.memory_space<hbm>>
    %dma_start3A_626 = tpu.memref_squeeze %dma_start3A_625 : memref<1x1x84x400xf32, #tpu.memory_space<hbm>> -> memref<84x400xf32, #tpu.memory_space<hbm>>
    %dma_start3A_627 = arith.constant 0 : i32
    %dma_start3A_628 = arith.constant 0 : i32
    %dma_start3A_629 = tpu.memref_slice %arg5[%add3A_621, %dma_start3A_622, %dma_start3A_627, %dma_start3A_628] : memref<128x4x84x400xf32, #tpu.memory_space<hbm>> -> memref<1x1x84x400xf32, #tpu.memory_space<hbm>>
    %dma_start3A_630 = tpu.memref_squeeze %dma_start3A_629 : memref<1x1x84x400xf32, #tpu.memory_space<hbm>> -> memref<84x400xf32, #tpu.memory_space<hbm>>
    tpu.enqueue_dma source(%arg8 : memref<84x400xf32, #tpu.memory_space<vmem>>) target(%dma_start3A_630 : memref<84x400xf32, #tpu.memory_space<hbm>>) target_semaphore(%arg12 : memref<!tpu.dma_semaphore, #tpu.memory_space<semaphore_mem>>)
    %mul3A_631 = arith.constant 4 : i32
    %mul3A_632 = arith.muli %add3A, %mul3A_631 : i32
    %add3A_633 = arith.constant 2 : i32
    %add3A_634 = arith.addi %mul3A_632, %add3A_633 : i32
    %dma_wait3A_635 = arith.constant 2 : i32
    %dma_wait3A_636 = arith.constant 0 : i32
    %dma_wait3A_637 = arith.constant 0 : i32
    %dma_wait3A_638 = tpu.memref_slice %arg5[%add3A_634, %dma_wait3A_635, %dma_wait3A_636, %dma_wait3A_637] : memref<128x4x84x400xf32, #tpu.memory_space<hbm>> -> memref<1x1x84x400xf32, #tpu.memory_space<hbm>>
    %dma_wait3A_639 = tpu.memref_squeeze %dma_wait3A_638 : memref<1x1x84x400xf32, #tpu.memory_space<hbm>> -> memref<84x400xf32, #tpu.memory_space<hbm>>
    %dma_wait3A_640 = arith.constant 0 : i32
    %dma_wait3A_641 = arith.constant 0 : i32
    %dma_wait3A_642 = tpu.memref_slice %arg5[%add3A_634, %dma_wait3A_635, %dma_wait3A_640, %dma_wait3A_641] : memref<128x4x84x400xf32, #tpu.memory_space<hbm>> -> memref<1x1x84x400xf32, #tpu.memory_space<hbm>>
    %dma_wait3A_643 = tpu.memref_squeeze %dma_wait3A_642 : memref<1x1x84x400xf32, #tpu.memory_space<hbm>> -> memref<84x400xf32, #tpu.memory_space<hbm>>
    tpu.wait_dma2 semaphore(%arg11 : memref<!tpu.dma_semaphore, #tpu.memory_space<semaphore_mem>>) src(%arg7 : memref<84x400xf32, #tpu.memory_space<vmem>>) dst(%dma_wait3A_643 : memref<84x400xf32, #tpu.memory_space<hbm>>)
    %mul3A_644 = arith.constant 4 : i32
    %mul3A_645 = arith.muli %add3A, %mul3A_644 : i32
    %add3A_646 = arith.constant 3 : i32
    %add3A_647 = arith.addi %mul3A_645, %add3A_646 : i32
    %slice3A_648 = vector.extract_strided_slice %get3A_4 {offsets = [3], sizes = [1], strides = [1]} : vector<16xi32> to vector<1xi32>
    %squeeze3A_649 = vector.extract %slice3A_648[0] : i32 from vector<1xi32>
    %eq3A_650 = arith.constant 0 : i32
    %eq3A_651 = arith.cmpi eq, %squeeze3A_649, %eq3A_650 : i32
    %convert_element_type3A_652 = arith.extui %eq3A_651 : i1 to i32
    %cond3A_653 = arith.constant 0 : i32
    %cond3A_654 = arith.cmpi ne, %convert_element_type3A_652, %cond3A_653 : i32
    scf.if %cond3A_654 {
      %dma_start3A_877 = arith.constant 0 : i32
      %dma_start3A_878 = arith.constant 0 : i32
      %dma_start3A_879 = arith.constant 0 : i32
      %dma_start3A_880 = tpu.memref_slice %arg3[%add3A_647, %dma_start3A_877, %dma_start3A_878, %dma_start3A_879] : memref<128x4x84x400xf32, #tpu.memory_space<hbm>> -> memref<1x1x84x400xf32, #tpu.memory_space<hbm>>
      %dma_start3A_881 = tpu.memref_squeeze %dma_start3A_880 : memref<1x1x84x400xf32, #tpu.memory_space<hbm>> -> memref<84x400xf32, #tpu.memory_space<hbm>>
      %dma_start3A_882 = arith.constant 0 : i32
      %dma_start3A_883 = arith.constant 0 : i32
      %dma_start3A_884 = tpu.memref_slice %arg3[%add3A_647, %dma_start3A_877, %dma_start3A_882, %dma_start3A_883] : memref<128x4x84x400xf32, #tpu.memory_space<hbm>> -> memref<1x1x84x400xf32, #tpu.memory_space<hbm>>
      %dma_start3A_885 = tpu.memref_squeeze %dma_start3A_884 : memref<1x1x84x400xf32, #tpu.memory_space<hbm>> -> memref<84x400xf32, #tpu.memory_space<hbm>>
      tpu.enqueue_dma source(%dma_start3A_885 : memref<84x400xf32, #tpu.memory_space<hbm>>) target(%arg7 : memref<84x400xf32, #tpu.memory_space<vmem>>) target_semaphore(%arg9 : memref<!tpu.dma_semaphore, #tpu.memory_space<semaphore_mem>>)
    } else {
    }
    %ne3A_655 = arith.constant 0 : i32
    %ne3A_656 = arith.cmpi ne, %squeeze3A_649, %ne3A_655 : i32
    %convert_element_type3A_657 = arith.extui %ne3A_656 : i1 to i32
    %cond3A_658 = arith.constant 0 : i32
    %cond3A_659 = arith.cmpi ne, %convert_element_type3A_657, %cond3A_658 : i32
    scf.if %cond3A_659 {
      %dma_start3A_877 = arith.constant 0 : i32
      %dma_start3A_878 = arith.constant 0 : i32
      %dma_start3A_879 = arith.constant 0 : i32
      %dma_start3A_880 = tpu.memref_slice %arg2[%add3A_647, %dma_start3A_877, %dma_start3A_878, %dma_start3A_879] : memref<128x4x84x400xf32, #tpu.memory_space<hbm>> -> memref<1x1x84x400xf32, #tpu.memory_space<hbm>>
      %dma_start3A_881 = tpu.memref_squeeze %dma_start3A_880 : memref<1x1x84x400xf32, #tpu.memory_space<hbm>> -> memref<84x400xf32, #tpu.memory_space<hbm>>
      %dma_start3A_882 = arith.constant 0 : i32
      %dma_start3A_883 = arith.constant 0 : i32
      %dma_start3A_884 = tpu.memref_slice %arg2[%add3A_647, %dma_start3A_877, %dma_start3A_882, %dma_start3A_883] : memref<128x4x84x400xf32, #tpu.memory_space<hbm>> -> memref<1x1x84x400xf32, #tpu.memory_space<hbm>>
      %dma_start3A_885 = tpu.memref_squeeze %dma_start3A_884 : memref<1x1x84x400xf32, #tpu.memory_space<hbm>> -> memref<84x400xf32, #tpu.memory_space<hbm>>
      tpu.enqueue_dma source(%dma_start3A_885 : memref<84x400xf32, #tpu.memory_space<hbm>>) target(%arg7 : memref<84x400xf32, #tpu.memory_space<vmem>>) target_semaphore(%arg9 : memref<!tpu.dma_semaphore, #tpu.memory_space<semaphore_mem>>)
    } else {
    }
    %mul3A_660 = arith.constant 4 : i32
    %mul3A_661 = arith.muli %add3A, %mul3A_660 : i32
    %add3A_662 = arith.constant 3 : i32
    %add3A_663 = arith.addi %mul3A_661, %add3A_662 : i32
    %dma_wait3A_664 = arith.constant 0 : i32
    %dma_wait3A_665 = arith.constant 0 : i32
    %dma_wait3A_666 = arith.constant 0 : i32
    %dma_wait3A_667 = tpu.memref_slice %arg2[%add3A_663, %dma_wait3A_664, %dma_wait3A_665, %dma_wait3A_666] : memref<128x4x84x400xf32, #tpu.memory_space<hbm>> -> memref<1x1x84x400xf32, #tpu.memory_space<hbm>>
    %dma_wait3A_668 = tpu.memref_squeeze %dma_wait3A_667 : memref<1x1x84x400xf32, #tpu.memory_space<hbm>> -> memref<84x400xf32, #tpu.memory_space<hbm>>
    %dma_wait3A_669 = arith.constant 0 : i32
    %dma_wait3A_670 = arith.constant 0 : i32
    %dma_wait3A_671 = tpu.memref_slice %arg2[%add3A_663, %dma_wait3A_664, %dma_wait3A_669, %dma_wait3A_670] : memref<128x4x84x400xf32, #tpu.memory_space<hbm>> -> memref<1x1x84x400xf32, #tpu.memory_space<hbm>>
    %dma_wait3A_672 = tpu.memref_squeeze %dma_wait3A_671 : memref<1x1x84x400xf32, #tpu.memory_space<hbm>> -> memref<84x400xf32, #tpu.memory_space<hbm>>
    tpu.wait_dma2 semaphore(%arg9 : memref<!tpu.dma_semaphore, #tpu.memory_space<semaphore_mem>>) src(%dma_wait3A_672 : memref<84x400xf32, #tpu.memory_space<hbm>>) dst(%arg7 : memref<84x400xf32, #tpu.memory_space<vmem>>)
    %mul3A_673 = arith.constant 4 : i32
    %mul3A_674 = arith.muli %add3A, %mul3A_673 : i32
    %add3A_675 = arith.constant 3 : i32
    %add3A_676 = arith.addi %mul3A_674, %add3A_675 : i32
    %dma_start3A_677 = arith.constant 0 : i32
    %dma_start3A_678 = arith.constant 0 : i32
    %dma_start3A_679 = arith.constant 0 : i32
    %dma_start3A_680 = tpu.memref_slice %arg5[%add3A_676, %dma_start3A_677, %dma_start3A_678, %dma_start3A_679] : memref<128x4x84x400xf32, #tpu.memory_space<hbm>> -> memref<1x1x84x400xf32, #tpu.memory_space<hbm>>
    %dma_start3A_681 = tpu.memref_squeeze %dma_start3A_680 : memref<1x1x84x400xf32, #tpu.memory_space<hbm>> -> memref<84x400xf32, #tpu.memory_space<hbm>>
    %dma_start3A_682 = arith.constant 0 : i32
    %dma_start3A_683 = arith.constant 0 : i32
    %dma_start3A_684 = tpu.memref_slice %arg5[%add3A_676, %dma_start3A_677, %dma_start3A_682, %dma_start3A_683] : memref<128x4x84x400xf32, #tpu.memory_space<hbm>> -> memref<1x1x84x400xf32, #tpu.memory_space<hbm>>
    %dma_start3A_685 = tpu.memref_squeeze %dma_start3A_684 : memref<1x1x84x400xf32, #tpu.memory_space<hbm>> -> memref<84x400xf32, #tpu.memory_space<hbm>>
    tpu.enqueue_dma source(%arg7 : memref<84x400xf32, #tpu.memory_space<vmem>>) target(%dma_start3A_685 : memref<84x400xf32, #tpu.memory_space<hbm>>) target_semaphore(%arg11 : memref<!tpu.dma_semaphore, #tpu.memory_space<semaphore_mem>>)
    %mul3A_686 = arith.constant 4 : i32
    %mul3A_687 = arith.muli %add3A, %mul3A_686 : i32
    %add3A_688 = arith.constant 2 : i32
    %add3A_689 = arith.addi %mul3A_687, %add3A_688 : i32
    %dma_wait3A_690 = arith.constant 3 : i32
    %dma_wait3A_691 = arith.constant 0 : i32
    %dma_wait3A_692 = arith.constant 0 : i32
    %dma_wait3A_693 = tpu.memref_slice %arg5[%add3A_689, %dma_wait3A_690, %dma_wait3A_691, %dma_wait3A_692] : memref<128x4x84x400xf32, #tpu.memory_space<hbm>> -> memref<1x1x84x400xf32, #tpu.memory_space<hbm>>
    %dma_wait3A_694 = tpu.memref_squeeze %dma_wait3A_693 : memref<1x1x84x400xf32, #tpu.memory_space<hbm>> -> memref<84x400xf32, #tpu.memory_space<hbm>>
    %dma_wait3A_695 = arith.constant 0 : i32
    %dma_wait3A_696 = arith.constant 0 : i32
    %dma_wait3A_697 = tpu.memref_slice %arg5[%add3A_689, %dma_wait3A_690, %dma_wait3A_695, %dma_wait3A_696] : memref<128x4x84x400xf32, #tpu.memory_space<hbm>> -> memref<1x1x84x400xf32, #tpu.memory_space<hbm>>
    %dma_wait3A_698 = tpu.memref_squeeze %dma_wait3A_697 : memref<1x1x84x400xf32, #tpu.memory_space<hbm>> -> memref<84x400xf32, #tpu.memory_space<hbm>>
    tpu.wait_dma2 semaphore(%arg12 : memref<!tpu.dma_semaphore, #tpu.memory_space<semaphore_mem>>) src(%arg8 : memref<84x400xf32, #tpu.memory_space<vmem>>) dst(%dma_wait3A_698 : memref<84x400xf32, #tpu.memory_space<hbm>>)
    %mul3A_699 = arith.constant 4 : i32
    %mul3A_700 = arith.muli %add3A, %mul3A_699 : i32
    %add3A_701 = arith.constant 3 : i32
    %add3A_702 = arith.addi %mul3A_700, %add3A_701 : i32
    %slice3A_703 = vector.extract_strided_slice %get3A_4 {offsets = [3], sizes = [1], strides = [1]} : vector<16xi32> to vector<1xi32>
    %squeeze3A_704 = vector.extract %slice3A_703[0] : i32 from vector<1xi32>
    %eq3A_705 = arith.constant 1 : i32
    %eq3A_706 = arith.cmpi eq, %squeeze3A_704, %eq3A_705 : i32
    %convert_element_type3A_707 = arith.extui %eq3A_706 : i1 to i32
    %cond3A_708 = arith.constant 0 : i32
    %cond3A_709 = arith.cmpi ne, %convert_element_type3A_707, %cond3A_708 : i32
    scf.if %cond3A_709 {
      %dma_start3A_877 = arith.constant 1 : i32
      %dma_start3A_878 = arith.constant 0 : i32
      %dma_start3A_879 = arith.constant 0 : i32
      %dma_start3A_880 = tpu.memref_slice %arg3[%add3A_702, %dma_start3A_877, %dma_start3A_878, %dma_start3A_879] : memref<128x4x84x400xf32, #tpu.memory_space<hbm>> -> memref<1x1x84x400xf32, #tpu.memory_space<hbm>>
      %dma_start3A_881 = tpu.memref_squeeze %dma_start3A_880 : memref<1x1x84x400xf32, #tpu.memory_space<hbm>> -> memref<84x400xf32, #tpu.memory_space<hbm>>
      %dma_start3A_882 = arith.constant 0 : i32
      %dma_start3A_883 = arith.constant 0 : i32
      %dma_start3A_884 = tpu.memref_slice %arg3[%add3A_702, %dma_start3A_877, %dma_start3A_882, %dma_start3A_883] : memref<128x4x84x400xf32, #tpu.memory_space<hbm>> -> memref<1x1x84x400xf32, #tpu.memory_space<hbm>>
      %dma_start3A_885 = tpu.memref_squeeze %dma_start3A_884 : memref<1x1x84x400xf32, #tpu.memory_space<hbm>> -> memref<84x400xf32, #tpu.memory_space<hbm>>
      tpu.enqueue_dma source(%dma_start3A_885 : memref<84x400xf32, #tpu.memory_space<hbm>>) target(%arg8 : memref<84x400xf32, #tpu.memory_space<vmem>>) target_semaphore(%arg10 : memref<!tpu.dma_semaphore, #tpu.memory_space<semaphore_mem>>)
    } else {
    }
    %ne3A_710 = arith.constant 1 : i32
    %ne3A_711 = arith.cmpi ne, %squeeze3A_704, %ne3A_710 : i32
    %convert_element_type3A_712 = arith.extui %ne3A_711 : i1 to i32
    %cond3A_713 = arith.constant 0 : i32
    %cond3A_714 = arith.cmpi ne, %convert_element_type3A_712, %cond3A_713 : i32
    scf.if %cond3A_714 {
      %dma_start3A_877 = arith.constant 1 : i32
      %dma_start3A_878 = arith.constant 0 : i32
      %dma_start3A_879 = arith.constant 0 : i32
      %dma_start3A_880 = tpu.memref_slice %arg2[%add3A_702, %dma_start3A_877, %dma_start3A_878, %dma_start3A_879] : memref<128x4x84x400xf32, #tpu.memory_space<hbm>> -> memref<1x1x84x400xf32, #tpu.memory_space<hbm>>
      %dma_start3A_881 = tpu.memref_squeeze %dma_start3A_880 : memref<1x1x84x400xf32, #tpu.memory_space<hbm>> -> memref<84x400xf32, #tpu.memory_space<hbm>>
      %dma_start3A_882 = arith.constant 0 : i32
      %dma_start3A_883 = arith.constant 0 : i32
      %dma_start3A_884 = tpu.memref_slice %arg2[%add3A_702, %dma_start3A_877, %dma_start3A_882, %dma_start3A_883] : memref<128x4x84x400xf32, #tpu.memory_space<hbm>> -> memref<1x1x84x400xf32, #tpu.memory_space<hbm>>
      %dma_start3A_885 = tpu.memref_squeeze %dma_start3A_884 : memref<1x1x84x400xf32, #tpu.memory_space<hbm>> -> memref<84x400xf32, #tpu.memory_space<hbm>>
      tpu.enqueue_dma source(%dma_start3A_885 : memref<84x400xf32, #tpu.memory_space<hbm>>) target(%arg8 : memref<84x400xf32, #tpu.memory_space<vmem>>) target_semaphore(%arg10 : memref<!tpu.dma_semaphore, #tpu.memory_space<semaphore_mem>>)
    } else {
    }
    %mul3A_715 = arith.constant 4 : i32
    %mul3A_716 = arith.muli %add3A, %mul3A_715 : i32
    %add3A_717 = arith.constant 3 : i32
    %add3A_718 = arith.addi %mul3A_716, %add3A_717 : i32
    %dma_wait3A_719 = arith.constant 1 : i32
    %dma_wait3A_720 = arith.constant 0 : i32
    %dma_wait3A_721 = arith.constant 0 : i32
    %dma_wait3A_722 = tpu.memref_slice %arg2[%add3A_718, %dma_wait3A_719, %dma_wait3A_720, %dma_wait3A_721] : memref<128x4x84x400xf32, #tpu.memory_space<hbm>> -> memref<1x1x84x400xf32, #tpu.memory_space<hbm>>
    %dma_wait3A_723 = tpu.memref_squeeze %dma_wait3A_722 : memref<1x1x84x400xf32, #tpu.memory_space<hbm>> -> memref<84x400xf32, #tpu.memory_space<hbm>>
    %dma_wait3A_724 = arith.constant 0 : i32
    %dma_wait3A_725 = arith.constant 0 : i32
    %dma_wait3A_726 = tpu.memref_slice %arg2[%add3A_718, %dma_wait3A_719, %dma_wait3A_724, %dma_wait3A_725] : memref<128x4x84x400xf32, #tpu.memory_space<hbm>> -> memref<1x1x84x400xf32, #tpu.memory_space<hbm>>
    %dma_wait3A_727 = tpu.memref_squeeze %dma_wait3A_726 : memref<1x1x84x400xf32, #tpu.memory_space<hbm>> -> memref<84x400xf32, #tpu.memory_space<hbm>>
    tpu.wait_dma2 semaphore(%arg10 : memref<!tpu.dma_semaphore, #tpu.memory_space<semaphore_mem>>) src(%dma_wait3A_727 : memref<84x400xf32, #tpu.memory_space<hbm>>) dst(%arg8 : memref<84x400xf32, #tpu.memory_space<vmem>>)
    %mul3A_728 = arith.constant 4 : i32
    %mul3A_729 = arith.muli %add3A, %mul3A_728 : i32
    %add3A_730 = arith.constant 3 : i32
    %add3A_731 = arith.addi %mul3A_729, %add3A_730 : i32
    %dma_start3A_732 = arith.constant 1 : i32
    %dma_start3A_733 = arith.constant 0 : i32
    %dma_start3A_734 = arith.constant 0 : i32
    %dma_start3A_735 = tpu.memref_slice %arg5[%add3A_731, %dma_start3A_732, %dma_start3A_733, %dma_start3A_734] : memref<128x4x84x400xf32, #tpu.memory_space<hbm>> -> memref<1x1x84x400xf32, #tpu.memory_space<hbm>>
    %dma_start3A_736 = tpu.memref_squeeze %dma_start3A_735 : memref<1x1x84x400xf32, #tpu.memory_space<hbm>> -> memref<84x400xf32, #tpu.memory_space<hbm>>
    %dma_start3A_737 = arith.constant 0 : i32
    %dma_start3A_738 = arith.constant 0 : i32
    %dma_start3A_739 = tpu.memref_slice %arg5[%add3A_731, %dma_start3A_732, %dma_start3A_737, %dma_start3A_738] : memref<128x4x84x400xf32, #tpu.memory_space<hbm>> -> memref<1x1x84x400xf32, #tpu.memory_space<hbm>>
    %dma_start3A_740 = tpu.memref_squeeze %dma_start3A_739 : memref<1x1x84x400xf32, #tpu.memory_space<hbm>> -> memref<84x400xf32, #tpu.memory_space<hbm>>
    tpu.enqueue_dma source(%arg8 : memref<84x400xf32, #tpu.memory_space<vmem>>) target(%dma_start3A_740 : memref<84x400xf32, #tpu.memory_space<hbm>>) target_semaphore(%arg12 : memref<!tpu.dma_semaphore, #tpu.memory_space<semaphore_mem>>)
    %mul3A_741 = arith.constant 4 : i32
    %mul3A_742 = arith.muli %add3A, %mul3A_741 : i32
    %add3A_743 = arith.constant 3 : i32
    %add3A_744 = arith.addi %mul3A_742, %add3A_743 : i32
    %dma_wait3A_745 = arith.constant 0 : i32
    %dma_wait3A_746 = arith.constant 0 : i32
    %dma_wait3A_747 = arith.constant 0 : i32
    %dma_wait3A_748 = tpu.memref_slice %arg5[%add3A_744, %dma_wait3A_745, %dma_wait3A_746, %dma_wait3A_747] : memref<128x4x84x400xf32, #tpu.memory_space<hbm>> -> memref<1x1x84x400xf32, #tpu.memory_space<hbm>>
    %dma_wait3A_749 = tpu.memref_squeeze %dma_wait3A_748 : memref<1x1x84x400xf32, #tpu.memory_space<hbm>> -> memref<84x400xf32, #tpu.memory_space<hbm>>
    %dma_wait3A_750 = arith.constant 0 : i32
    %dma_wait3A_751 = arith.constant 0 : i32
    %dma_wait3A_752 = tpu.memref_slice %arg5[%add3A_744, %dma_wait3A_745, %dma_wait3A_750, %dma_wait3A_751] : memref<128x4x84x400xf32, #tpu.memory_space<hbm>> -> memref<1x1x84x400xf32, #tpu.memory_space<hbm>>
    %dma_wait3A_753 = tpu.memref_squeeze %dma_wait3A_752 : memref<1x1x84x400xf32, #tpu.memory_space<hbm>> -> memref<84x400xf32, #tpu.memory_space<hbm>>
    tpu.wait_dma2 semaphore(%arg11 : memref<!tpu.dma_semaphore, #tpu.memory_space<semaphore_mem>>) src(%arg7 : memref<84x400xf32, #tpu.memory_space<vmem>>) dst(%dma_wait3A_753 : memref<84x400xf32, #tpu.memory_space<hbm>>)
    %mul3A_754 = arith.constant 4 : i32
    %mul3A_755 = arith.muli %add3A, %mul3A_754 : i32
    %add3A_756 = arith.constant 3 : i32
    %add3A_757 = arith.addi %mul3A_755, %add3A_756 : i32
    %slice3A_758 = vector.extract_strided_slice %get3A_4 {offsets = [3], sizes = [1], strides = [1]} : vector<16xi32> to vector<1xi32>
    %squeeze3A_759 = vector.extract %slice3A_758[0] : i32 from vector<1xi32>
    %eq3A_760 = arith.constant 2 : i32
    %eq3A_761 = arith.cmpi eq, %squeeze3A_759, %eq3A_760 : i32
    %convert_element_type3A_762 = arith.extui %eq3A_761 : i1 to i32
    %cond3A_763 = arith.constant 0 : i32
    %cond3A_764 = arith.cmpi ne, %convert_element_type3A_762, %cond3A_763 : i32
    scf.if %cond3A_764 {
      %dma_start3A_877 = arith.constant 2 : i32
      %dma_start3A_878 = arith.constant 0 : i32
      %dma_start3A_879 = arith.constant 0 : i32
      %dma_start3A_880 = tpu.memref_slice %arg3[%add3A_757, %dma_start3A_877, %dma_start3A_878, %dma_start3A_879] : memref<128x4x84x400xf32, #tpu.memory_space<hbm>> -> memref<1x1x84x400xf32, #tpu.memory_space<hbm>>
      %dma_start3A_881 = tpu.memref_squeeze %dma_start3A_880 : memref<1x1x84x400xf32, #tpu.memory_space<hbm>> -> memref<84x400xf32, #tpu.memory_space<hbm>>
      %dma_start3A_882 = arith.constant 0 : i32
      %dma_start3A_883 = arith.constant 0 : i32
      %dma_start3A_884 = tpu.memref_slice %arg3[%add3A_757, %dma_start3A_877, %dma_start3A_882, %dma_start3A_883] : memref<128x4x84x400xf32, #tpu.memory_space<hbm>> -> memref<1x1x84x400xf32, #tpu.memory_space<hbm>>
      %dma_start3A_885 = tpu.memref_squeeze %dma_start3A_884 : memref<1x1x84x400xf32, #tpu.memory_space<hbm>> -> memref<84x400xf32, #tpu.memory_space<hbm>>
      tpu.enqueue_dma source(%dma_start3A_885 : memref<84x400xf32, #tpu.memory_space<hbm>>) target(%arg7 : memref<84x400xf32, #tpu.memory_space<vmem>>) target_semaphore(%arg9 : memref<!tpu.dma_semaphore, #tpu.memory_space<semaphore_mem>>)
    } else {
    }
    %ne3A_765 = arith.constant 2 : i32
    %ne3A_766 = arith.cmpi ne, %squeeze3A_759, %ne3A_765 : i32
    %convert_element_type3A_767 = arith.extui %ne3A_766 : i1 to i32
    %cond3A_768 = arith.constant 0 : i32
    %cond3A_769 = arith.cmpi ne, %convert_element_type3A_767, %cond3A_768 : i32
    scf.if %cond3A_769 {
      %dma_start3A_877 = arith.constant 2 : i32
      %dma_start3A_878 = arith.constant 0 : i32
      %dma_start3A_879 = arith.constant 0 : i32
      %dma_start3A_880 = tpu.memref_slice %arg2[%add3A_757, %dma_start3A_877, %dma_start3A_878, %dma_start3A_879] : memref<128x4x84x400xf32, #tpu.memory_space<hbm>> -> memref<1x1x84x400xf32, #tpu.memory_space<hbm>>
      %dma_start3A_881 = tpu.memref_squeeze %dma_start3A_880 : memref<1x1x84x400xf32, #tpu.memory_space<hbm>> -> memref<84x400xf32, #tpu.memory_space<hbm>>
      %dma_start3A_882 = arith.constant 0 : i32
      %dma_start3A_883 = arith.constant 0 : i32
      %dma_start3A_884 = tpu.memref_slice %arg2[%add3A_757, %dma_start3A_877, %dma_start3A_882, %dma_start3A_883] : memref<128x4x84x400xf32, #tpu.memory_space<hbm>> -> memref<1x1x84x400xf32, #tpu.memory_space<hbm>>
      %dma_start3A_885 = tpu.memref_squeeze %dma_start3A_884 : memref<1x1x84x400xf32, #tpu.memory_space<hbm>> -> memref<84x400xf32, #tpu.memory_space<hbm>>
      tpu.enqueue_dma source(%dma_start3A_885 : memref<84x400xf32, #tpu.memory_space<hbm>>) target(%arg7 : memref<84x400xf32, #tpu.memory_space<vmem>>) target_semaphore(%arg9 : memref<!tpu.dma_semaphore, #tpu.memory_space<semaphore_mem>>)
    } else {
    }
    %mul3A_770 = arith.constant 4 : i32
    %mul3A_771 = arith.muli %add3A, %mul3A_770 : i32
    %add3A_772 = arith.constant 3 : i32
    %add3A_773 = arith.addi %mul3A_771, %add3A_772 : i32
    %dma_wait3A_774 = arith.constant 2 : i32
    %dma_wait3A_775 = arith.constant 0 : i32
    %dma_wait3A_776 = arith.constant 0 : i32
    %dma_wait3A_777 = tpu.memref_slice %arg2[%add3A_773, %dma_wait3A_774, %dma_wait3A_775, %dma_wait3A_776] : memref<128x4x84x400xf32, #tpu.memory_space<hbm>> -> memref<1x1x84x400xf32, #tpu.memory_space<hbm>>
    %dma_wait3A_778 = tpu.memref_squeeze %dma_wait3A_777 : memref<1x1x84x400xf32, #tpu.memory_space<hbm>> -> memref<84x400xf32, #tpu.memory_space<hbm>>
    %dma_wait3A_779 = arith.constant 0 : i32
    %dma_wait3A_780 = arith.constant 0 : i32
    %dma_wait3A_781 = tpu.memref_slice %arg2[%add3A_773, %dma_wait3A_774, %dma_wait3A_779, %dma_wait3A_780] : memref<128x4x84x400xf32, #tpu.memory_space<hbm>> -> memref<1x1x84x400xf32, #tpu.memory_space<hbm>>
    %dma_wait3A_782 = tpu.memref_squeeze %dma_wait3A_781 : memref<1x1x84x400xf32, #tpu.memory_space<hbm>> -> memref<84x400xf32, #tpu.memory_space<hbm>>
    tpu.wait_dma2 semaphore(%arg9 : memref<!tpu.dma_semaphore, #tpu.memory_space<semaphore_mem>>) src(%dma_wait3A_782 : memref<84x400xf32, #tpu.memory_space<hbm>>) dst(%arg7 : memref<84x400xf32, #tpu.memory_space<vmem>>)
    %mul3A_783 = arith.constant 4 : i32
    %mul3A_784 = arith.muli %add3A, %mul3A_783 : i32
    %add3A_785 = arith.constant 3 : i32
    %add3A_786 = arith.addi %mul3A_784, %add3A_785 : i32
    %dma_start3A_787 = arith.constant 2 : i32
    %dma_start3A_788 = arith.constant 0 : i32
    %dma_start3A_789 = arith.constant 0 : i32
    %dma_start3A_790 = tpu.memref_slice %arg5[%add3A_786, %dma_start3A_787, %dma_start3A_788, %dma_start3A_789] : memref<128x4x84x400xf32, #tpu.memory_space<hbm>> -> memref<1x1x84x400xf32, #tpu.memory_space<hbm>>
    %dma_start3A_791 = tpu.memref_squeeze %dma_start3A_790 : memref<1x1x84x400xf32, #tpu.memory_space<hbm>> -> memref<84x400xf32, #tpu.memory_space<hbm>>
    %dma_start3A_792 = arith.constant 0 : i32
    %dma_start3A_793 = arith.constant 0 : i32
    %dma_start3A_794 = tpu.memref_slice %arg5[%add3A_786, %dma_start3A_787, %dma_start3A_792, %dma_start3A_793] : memref<128x4x84x400xf32, #tpu.memory_space<hbm>> -> memref<1x1x84x400xf32, #tpu.memory_space<hbm>>
    %dma_start3A_795 = tpu.memref_squeeze %dma_start3A_794 : memref<1x1x84x400xf32, #tpu.memory_space<hbm>> -> memref<84x400xf32, #tpu.memory_space<hbm>>
    tpu.enqueue_dma source(%arg7 : memref<84x400xf32, #tpu.memory_space<vmem>>) target(%dma_start3A_795 : memref<84x400xf32, #tpu.memory_space<hbm>>) target_semaphore(%arg11 : memref<!tpu.dma_semaphore, #tpu.memory_space<semaphore_mem>>)
    %mul3A_796 = arith.constant 4 : i32
    %mul3A_797 = arith.muli %add3A, %mul3A_796 : i32
    %add3A_798 = arith.constant 3 : i32
    %add3A_799 = arith.addi %mul3A_797, %add3A_798 : i32
    %dma_wait3A_800 = arith.constant 1 : i32
    %dma_wait3A_801 = arith.constant 0 : i32
    %dma_wait3A_802 = arith.constant 0 : i32
    %dma_wait3A_803 = tpu.memref_slice %arg5[%add3A_799, %dma_wait3A_800, %dma_wait3A_801, %dma_wait3A_802] : memref<128x4x84x400xf32, #tpu.memory_space<hbm>> -> memref<1x1x84x400xf32, #tpu.memory_space<hbm>>
    %dma_wait3A_804 = tpu.memref_squeeze %dma_wait3A_803 : memref<1x1x84x400xf32, #tpu.memory_space<hbm>> -> memref<84x400xf32, #tpu.memory_space<hbm>>
    %dma_wait3A_805 = arith.constant 0 : i32
    %dma_wait3A_806 = arith.constant 0 : i32
    %dma_wait3A_807 = tpu.memref_slice %arg5[%add3A_799, %dma_wait3A_800, %dma_wait3A_805, %dma_wait3A_806] : memref<128x4x84x400xf32, #tpu.memory_space<hbm>> -> memref<1x1x84x400xf32, #tpu.memory_space<hbm>>
    %dma_wait3A_808 = tpu.memref_squeeze %dma_wait3A_807 : memref<1x1x84x400xf32, #tpu.memory_space<hbm>> -> memref<84x400xf32, #tpu.memory_space<hbm>>
    tpu.wait_dma2 semaphore(%arg12 : memref<!tpu.dma_semaphore, #tpu.memory_space<semaphore_mem>>) src(%arg8 : memref<84x400xf32, #tpu.memory_space<vmem>>) dst(%dma_wait3A_808 : memref<84x400xf32, #tpu.memory_space<hbm>>)
    %mul3A_809 = arith.constant 4 : i32
    %mul3A_810 = arith.muli %add3A, %mul3A_809 : i32
    %add3A_811 = arith.constant 3 : i32
    %add3A_812 = arith.addi %mul3A_810, %add3A_811 : i32
    %slice3A_813 = vector.extract_strided_slice %get3A_4 {offsets = [3], sizes = [1], strides = [1]} : vector<16xi32> to vector<1xi32>
    %squeeze3A_814 = vector.extract %slice3A_813[0] : i32 from vector<1xi32>
    %eq3A_815 = arith.constant 3 : i32
    %eq3A_816 = arith.cmpi eq, %squeeze3A_814, %eq3A_815 : i32
    %convert_element_type3A_817 = arith.extui %eq3A_816 : i1 to i32
    %cond3A_818 = arith.constant 0 : i32
    %cond3A_819 = arith.cmpi ne, %convert_element_type3A_817, %cond3A_818 : i32
    scf.if %cond3A_819 {
      %dma_start3A_877 = arith.constant 3 : i32
      %dma_start3A_878 = arith.constant 0 : i32
      %dma_start3A_879 = arith.constant 0 : i32
      %dma_start3A_880 = tpu.memref_slice %arg3[%add3A_812, %dma_start3A_877, %dma_start3A_878, %dma_start3A_879] : memref<128x4x84x400xf32, #tpu.memory_space<hbm>> -> memref<1x1x84x400xf32, #tpu.memory_space<hbm>>
      %dma_start3A_881 = tpu.memref_squeeze %dma_start3A_880 : memref<1x1x84x400xf32, #tpu.memory_space<hbm>> -> memref<84x400xf32, #tpu.memory_space<hbm>>
      %dma_start3A_882 = arith.constant 0 : i32
      %dma_start3A_883 = arith.constant 0 : i32
      %dma_start3A_884 = tpu.memref_slice %arg3[%add3A_812, %dma_start3A_877, %dma_start3A_882, %dma_start3A_883] : memref<128x4x84x400xf32, #tpu.memory_space<hbm>> -> memref<1x1x84x400xf32, #tpu.memory_space<hbm>>
      %dma_start3A_885 = tpu.memref_squeeze %dma_start3A_884 : memref<1x1x84x400xf32, #tpu.memory_space<hbm>> -> memref<84x400xf32, #tpu.memory_space<hbm>>
      tpu.enqueue_dma source(%dma_start3A_885 : memref<84x400xf32, #tpu.memory_space<hbm>>) target(%arg8 : memref<84x400xf32, #tpu.memory_space<vmem>>) target_semaphore(%arg10 : memref<!tpu.dma_semaphore, #tpu.memory_space<semaphore_mem>>)
    } else {
    }
    %ne3A_820 = arith.constant 3 : i32
    %ne3A_821 = arith.cmpi ne, %squeeze3A_814, %ne3A_820 : i32
    %convert_element_type3A_822 = arith.extui %ne3A_821 : i1 to i32
    %cond3A_823 = arith.constant 0 : i32
    %cond3A_824 = arith.cmpi ne, %convert_element_type3A_822, %cond3A_823 : i32
    scf.if %cond3A_824 {
      %dma_start3A_877 = arith.constant 3 : i32
      %dma_start3A_878 = arith.constant 0 : i32
      %dma_start3A_879 = arith.constant 0 : i32
      %dma_start3A_880 = tpu.memref_slice %arg2[%add3A_812, %dma_start3A_877, %dma_start3A_878, %dma_start3A_879] : memref<128x4x84x400xf32, #tpu.memory_space<hbm>> -> memref<1x1x84x400xf32, #tpu.memory_space<hbm>>
      %dma_start3A_881 = tpu.memref_squeeze %dma_start3A_880 : memref<1x1x84x400xf32, #tpu.memory_space<hbm>> -> memref<84x400xf32, #tpu.memory_space<hbm>>
      %dma_start3A_882 = arith.constant 0 : i32
      %dma_start3A_883 = arith.constant 0 : i32
      %dma_start3A_884 = tpu.memref_slice %arg2[%add3A_812, %dma_start3A_877, %dma_start3A_882, %dma_start3A_883] : memref<128x4x84x400xf32, #tpu.memory_space<hbm>> -> memref<1x1x84x400xf32, #tpu.memory_space<hbm>>
      %dma_start3A_885 = tpu.memref_squeeze %dma_start3A_884 : memref<1x1x84x400xf32, #tpu.memory_space<hbm>> -> memref<84x400xf32, #tpu.memory_space<hbm>>
      tpu.enqueue_dma source(%dma_start3A_885 : memref<84x400xf32, #tpu.memory_space<hbm>>) target(%arg8 : memref<84x400xf32, #tpu.memory_space<vmem>>) target_semaphore(%arg10 : memref<!tpu.dma_semaphore, #tpu.memory_space<semaphore_mem>>)
    } else {
    }
    %mul3A_825 = arith.constant 4 : i32
    %mul3A_826 = arith.muli %add3A, %mul3A_825 : i32
    %add3A_827 = arith.constant 3 : i32
    %add3A_828 = arith.addi %mul3A_826, %add3A_827 : i32
    %dma_wait3A_829 = arith.constant 3 : i32
    %dma_wait3A_830 = arith.constant 0 : i32
    %dma_wait3A_831 = arith.constant 0 : i32
    %dma_wait3A_832 = tpu.memref_slice %arg2[%add3A_828, %dma_wait3A_829, %dma_wait3A_830, %dma_wait3A_831] : memref<128x4x84x400xf32, #tpu.memory_space<hbm>> -> memref<1x1x84x400xf32, #tpu.memory_space<hbm>>
    %dma_wait3A_833 = tpu.memref_squeeze %dma_wait3A_832 : memref<1x1x84x400xf32, #tpu.memory_space<hbm>> -> memref<84x400xf32, #tpu.memory_space<hbm>>
    %dma_wait3A_834 = arith.constant 0 : i32
    %dma_wait3A_835 = arith.constant 0 : i32
    %dma_wait3A_836 = tpu.memref_slice %arg2[%add3A_828, %dma_wait3A_829, %dma_wait3A_834, %dma_wait3A_835] : memref<128x4x84x400xf32, #tpu.memory_space<hbm>> -> memref<1x1x84x400xf32, #tpu.memory_space<hbm>>
    %dma_wait3A_837 = tpu.memref_squeeze %dma_wait3A_836 : memref<1x1x84x400xf32, #tpu.memory_space<hbm>> -> memref<84x400xf32, #tpu.memory_space<hbm>>
    tpu.wait_dma2 semaphore(%arg10 : memref<!tpu.dma_semaphore, #tpu.memory_space<semaphore_mem>>) src(%dma_wait3A_837 : memref<84x400xf32, #tpu.memory_space<hbm>>) dst(%arg8 : memref<84x400xf32, #tpu.memory_space<vmem>>)
    %mul3A_838 = arith.constant 4 : i32
    %mul3A_839 = arith.muli %add3A, %mul3A_838 : i32
    %add3A_840 = arith.constant 3 : i32
    %add3A_841 = arith.addi %mul3A_839, %add3A_840 : i32
    %dma_start3A_842 = arith.constant 3 : i32
    %dma_start3A_843 = arith.constant 0 : i32
    %dma_start3A_844 = arith.constant 0 : i32
    %dma_start3A_845 = tpu.memref_slice %arg5[%add3A_841, %dma_start3A_842, %dma_start3A_843, %dma_start3A_844] : memref<128x4x84x400xf32, #tpu.memory_space<hbm>> -> memref<1x1x84x400xf32, #tpu.memory_space<hbm>>
    %dma_start3A_846 = tpu.memref_squeeze %dma_start3A_845 : memref<1x1x84x400xf32, #tpu.memory_space<hbm>> -> memref<84x400xf32, #tpu.memory_space<hbm>>
    %dma_start3A_847 = arith.constant 0 : i32
    %dma_start3A_848 = arith.constant 0 : i32
    %dma_start3A_849 = tpu.memref_slice %arg5[%add3A_841, %dma_start3A_842, %dma_start3A_847, %dma_start3A_848] : memref<128x4x84x400xf32, #tpu.memory_space<hbm>> -> memref<1x1x84x400xf32, #tpu.memory_space<hbm>>
    %dma_start3A_850 = tpu.memref_squeeze %dma_start3A_849 : memref<1x1x84x400xf32, #tpu.memory_space<hbm>> -> memref<84x400xf32, #tpu.memory_space<hbm>>
    tpu.enqueue_dma source(%arg8 : memref<84x400xf32, #tpu.memory_space<vmem>>) target(%dma_start3A_850 : memref<84x400xf32, #tpu.memory_space<hbm>>) target_semaphore(%arg12 : memref<!tpu.dma_semaphore, #tpu.memory_space<semaphore_mem>>)
    %mul3A_851 = arith.constant 4 : i32
    %mul3A_852 = arith.muli %add3A, %mul3A_851 : i32
    %add3A_853 = arith.constant 3 : i32
    %add3A_854 = arith.addi %mul3A_852, %add3A_853 : i32
    %dma_wait3A_855 = arith.constant 2 : i32
    %dma_wait3A_856 = arith.constant 0 : i32
    %dma_wait3A_857 = arith.constant 0 : i32
    %dma_wait3A_858 = tpu.memref_slice %arg5[%add3A_854, %dma_wait3A_855, %dma_wait3A_856, %dma_wait3A_857] : memref<128x4x84x400xf32, #tpu.memory_space<hbm>> -> memref<1x1x84x400xf32, #tpu.memory_space<hbm>>
    %dma_wait3A_859 = tpu.memref_squeeze %dma_wait3A_858 : memref<1x1x84x400xf32, #tpu.memory_space<hbm>> -> memref<84x400xf32, #tpu.memory_space<hbm>>
    %dma_wait3A_860 = arith.constant 0 : i32
    %dma_wait3A_861 = arith.constant 0 : i32
    %dma_wait3A_862 = tpu.memref_slice %arg5[%add3A_854, %dma_wait3A_855, %dma_wait3A_860, %dma_wait3A_861] : memref<128x4x84x400xf32, #tpu.memory_space<hbm>> -> memref<1x1x84x400xf32, #tpu.memory_space<hbm>>
    %dma_wait3A_863 = tpu.memref_squeeze %dma_wait3A_862 : memref<1x1x84x400xf32, #tpu.memory_space<hbm>> -> memref<84x400xf32, #tpu.memory_space<hbm>>
    tpu.wait_dma2 semaphore(%arg11 : memref<!tpu.dma_semaphore, #tpu.memory_space<semaphore_mem>>) src(%arg7 : memref<84x400xf32, #tpu.memory_space<vmem>>) dst(%dma_wait3A_863 : memref<84x400xf32, #tpu.memory_space<hbm>>)
    %mul3A_864 = arith.constant 4 : i32
    %mul3A_865 = arith.muli %add3A, %mul3A_864 : i32
    %add3A_866 = arith.constant 3 : i32
    %add3A_867 = arith.addi %mul3A_865, %add3A_866 : i32
    %dma_wait3A_868 = arith.constant 3 : i32
    %dma_wait3A_869 = arith.constant 0 : i32
    %dma_wait3A_870 = arith.constant 0 : i32
    %dma_wait3A_871 = tpu.memref_slice %arg5[%add3A_867, %dma_wait3A_868, %dma_wait3A_869, %dma_wait3A_870] : memref<128x4x84x400xf32, #tpu.memory_space<hbm>> -> memref<1x1x84x400xf32, #tpu.memory_space<hbm>>
    %dma_wait3A_872 = tpu.memref_squeeze %dma_wait3A_871 : memref<1x1x84x400xf32, #tpu.memory_space<hbm>> -> memref<84x400xf32, #tpu.memory_space<hbm>>
    %dma_wait3A_873 = arith.constant 0 : i32
    %dma_wait3A_874 = arith.constant 0 : i32
    %dma_wait3A_875 = tpu.memref_slice %arg5[%add3A_867, %dma_wait3A_868, %dma_wait3A_873, %dma_wait3A_874] : memref<128x4x84x400xf32, #tpu.memory_space<hbm>> -> memref<1x1x84x400xf32, #tpu.memory_space<hbm>>
    %dma_wait3A_876 = tpu.memref_squeeze %dma_wait3A_875 : memref<1x1x84x400xf32, #tpu.memory_space<hbm>> -> memref<84x400xf32, #tpu.memory_space<hbm>>
    tpu.wait_dma2 semaphore(%arg12 : memref<!tpu.dma_semaphore, #tpu.memory_space<semaphore_mem>>) src(%arg8 : memref<84x400xf32, #tpu.memory_space<vmem>>) dst(%dma_wait3A_876 : memref<84x400xf32, #tpu.memory_space<hbm>>)
    return
  }
}

</mosaic_0001>

<sc_bundles>
// kernel: kernel.3.cloned.1.call-start
scs
__scs_entry_jumppad:
0x0: {  	(pc) =	sbr.rel $0x88, $3  }
0x1: {  	(tag) =	ssettag $0x0;
	lr =	simm.s32 $0x1  }
0x2: {  	[smem:$0x3F9E] =	sst lr;
	_ =	strace $0xD0000000  }
0x3: {  	_ = 	snop  }
0x4: {  	_ = 	snop  }
0x5: {  	_ = 	snop  }
0x6: {  	_ = 	snop  }
0x7: {  	_ = 	snop  }
__scs_overlays_trampoline_lowered:
0x8: {  	[smem:$0x3FAD] =	sst s0  }
0x9: {  	[smem:$0x3FAE] =	sst s1  }
0xa: {  	[smem:$0x3FAF] =	sst s2  }
0xb: {  	[smem:$0x3FB0] =	sst s3  }
0xc: {  	[smem:$0x3FB1] =	sst s4  }
0xd: {  	[smem:$0x3FB2] =	sst s5  }
0xe: {  	[smem:$0x3FB3] =	sst s6  }
0xf: {  	[smem:$0x3FB4] =	sst s7  }
0x10: {  	[smem:$0x3FB5] =	sst s8  }
0x11: {  	[smem:$0x3FB6] =	sst s9;
	s0 =	simm.s32 @!p0 $0x0  }
0x12: {  	s1 =	sld [smem:$0x3F9C];
	s0 =	simm.s32 @p0 $0x1  }
0x13: {  	[smem:$0x3FB7] =	sst s0;
	s0 =	simm.s32 @!p1 $0x0  }
0x14: {  	s2 =	sld [smem:$0x3F9B];
	s0 =	simm.s32 @p1 $0x1  }
0x15: {  	[smem:$0x3FB8] =	sst s0;
	s0 =	simm.s32 @!p2 $0x0  }
0x16: {  	s3 =	sld [smem:$0x3FDB];
	s0 =	simm.s32 @p2 $0x1  }
0x17: {  	s4 =	simm.s32 $0x1BF5;
	[smem:$0x3FBA] =	sst s0  }
0x18: {  	s0 =	sld [smem:$0x3F9D];
	_ =	swait.ge [sflag:s4], $0x0  }
0x19: {  	s7 =	sld [smem:$0x3F9E]  }
0x1a: {  	s8 =	sadd.s32 $0xFFFFE003, lr  }
0x1b: {  	s9 =	sadd.s32 $0xFFFFFEF7, lr;
	s5 =	simm.s32 $0xFFFFFFFF;
	p2 =	slt.u32 s8, $0xFFFFF086  }
0x1c: {  	p1 =	slt.u32 s9, $0xF7A;
	s5 =	simm.s32 @!p2 $0x0  }
0x1d: {  	s5 =	simm.s32 @p1 $0x1;
	p0 =	seq.s32 s7, s2  }
0x1e: {  	s7 =	smul.u32 @!p0 $0xF7A, s2;
	p2 =	seq.s32 @!p0 s5, $0x0  }
0x1f: {  	s9 =	smul.u32 $0xF7A, s1;
	s8 =	simm.s32 @!p0 $0x1BF5;
	p2 =	por !p2, p0  }
0x20: {  	[sflag:s8] =	ssyncset.s32 @!p0 $0xFFFFF086;
	s6 =	sadd.s32 @!p0 s3, s7;
	s7 =	simm.s32 @!p0 $0x108  }
0x21: {  	s3 =	sadd.s32 s3, s9;
	s6 =	sadd.s32 @!p0 $0x88, s6;
	s7 =	simm.s32 @p2 $0x1082  }
0x22: {  	[simem:s7], [sflag:s8] =	dma.local @!p0 [hbm:s6], $0xF7A  }
0x23: {  	s9 =	sor.u32 $0xD0000000, s2;
	s6 =	simm.s32 $0x108;
	_ =	swait.ge @!p0 [sflag:s8], $0x0  }
0x24: {  	s3 =	sadd.s32 $0x88, s3;
	s6 =	simm.s32 @!p1 $0x1082;
	[sflag:s4] =	ssyncset.s32 $0xFFFFF086  }
0x25: {  	[simem:s6], [sflag:s4] =	dma.local [hbm:s3], $0xF7A  }
0x26: {  	[smem:$0x3F9E] =	sst s1;
	(tag) =	ssettag s2;
	_ =	strace s9  }
0x27: {  	s1 =	sld [smem:$0x3FAE]  }
0x28: {  	s2 =	sld [smem:$0x3FAF]  }
0x29: {  	s4 =	sld [smem:$0x3FB1]  }
0x2a: {  	p0 =	seq.s32 s5, $0x0;
	s5 =	sld [smem:$0x3FB2]  }
0x2b: {  	s6 =	sld [smem:$0x3FB3]  }
0x2c: {  	s7 =	sld [smem:$0x3FB4]  }
0x2d: {  	s3 =	simm.s32 $0x108;
	s8 =	sld [smem:$0x3FB5]  }
0x2e: {  	s3 =	simm.s32 @!p0 $0x1082;
	s9 =	sld [smem:$0x3FB6]  }
0x2f: {  	lr =	sadd.s32 s0, s3;
	s0 =	sld [smem:$0x3FAD]  }
0x30: {  	s3 =	sld [smem:$0x3FB0]  }
0x31: {  	[smem:$0x3FB9] =	sst s10  }
0x32: {  	s10 =	sld [smem:$0x3FB7];
	_ =	sdelay $0x3  }
0x33: {  	p0 =	seq.s32 s10, $0x1;
	s10 =	sld [smem:$0x3FB9];
	_ =	sdelay $0x3  }
0x34: {  	[smem:$0x3FB9] =	sst s10  }
0x35: {  	s10 =	sld [smem:$0x3FB8];
	_ =	sdelay $0x3  }
0x36: {  	p1 =	seq.s32 s10, $0x1;
	s10 =	sld [smem:$0x3FB9];
	_ =	sdelay $0x3  }
0x37: {  	[smem:$0x3FB9] =	sst s10  }
0x38: {  	s10 =	sld [smem:$0x3FBA]  }
0x39: {  	_ = 	snop;
	(pc) =	sbr.ind lr, $3  }
0x3a: {  	_ = 	snop  }
0x3b: {  	_ = 	snop  }
0x3c: {  	p2 =	seq.s32 s10, $0x1;
	s10 =	sld [smem:$0x3FB9]  }
0x3d: {  	_ =	shalt  }
0x3e: {  	_ =	shalt  }
0x3f: {  	_ =	shalt  }
0x40: {  	_ =	shalt  }
0x41: {  	_ =	shalt  }
0x42: {  	_ =	shalt  }
0x43: {  	_ =	shalt  }
0x44: {  	_ =	shalt  }
0x45: {  	_ =	shalt  }
0x46: {  	_ =	shalt  }
0x47: {  	_ =	shalt  }
0x48: {  	_ =	shalt  }
0x49: {  	_ =	shalt  }
0x4a: {  	_ =	shalt  }
0x4b: {  	_ =	shalt  }
0x4c: {  	_ =	shalt  }
0x4d: {  	_ =	shalt  }
0x4e: {  	_ =	shalt  }
0x4f: {  	_ =	shalt  }
0x50: {  	_ =	shalt  }
0x51: {  	_ =	shalt  }
0x52: {  	_ =	shalt  }
0x53: {  	_ =	shalt  }
0x54: {  	_ =	shalt  }
0x55: {  	_ =	shalt  }
0x56: {  	_ =	shalt  }
0x57: {  	_ =	shalt  }
0x58: {  	_ =	shalt  }
0x59: {  	_ =	shalt  }
0x5a: {  	_ =	shalt  }
0x5b: {  	_ =	shalt  }
0x5c: {  	_ =	shalt  }
0x5d: {  	_ =	shalt  }
0x5e: {  	_ =	shalt  }
0x5f: {  	_ =	shalt  }
0x60: {  	_ =	shalt  }
0x61: {  	_ =	shalt  }
0x62: {  	_ =	shalt  }
0x63: {  	_ =	shalt  }
0x64: {  	_ =	shalt  }
0x65: {  	_ =	shalt  }
0x66: {  	_ =	shalt  }
0x67: {  	_ =	shalt  }
0x68: {  	_ =	shalt  }
0x69: {  	_ =	shalt  }
0x6a: {  	_ =	shalt  }
0x6b: {  	_ =	shalt  }
0x6c: {  	_ =	shalt  }
0x6d: {  	_ =	shalt  }
0x6e: {  	_ =	shalt  }
0x6f: {  	_ =	shalt  }
0x70: {  	_ =	shalt  }
0x71: {  	_ =	shalt  }
0x72: {  	_ =	shalt  }
0x73: {  	_ =	shalt  }
0x74: {  	_ =	shalt  }
0x75: {  	_ =	shalt  }
0x76: {  	_ =	shalt  }
0x77: {  	_ =	shalt  }
0x78: {  	_ =	shalt  }
0x79: {  	_ =	shalt  }
0x7a: {  	_ =	shalt  }
0x7b: {  	_ =	shalt  }
0x7c: {  	_ =	shalt  }
0x7d: {  	_ =	shalt  }
0x7e: {  	_ =	shalt  }
0x7f: {  	_ =	shalt  }
0x80: {  	_ =	shalt  }
0x81: {  	_ =	shalt  }
0x82: {  	_ =	shalt  }
0x83: {  	_ =	shalt  }
0x84: {  	_ =	shalt  }
0x85: {  	_ =	shalt  }
0x86: {  	_ =	shalt  }
0x87: {  	_ =	shalt  }
.Lfunc_end0:
.L_simem_size_0:
called_computation_lowered:
.L_overlay_start_0:
0x88: {  	s2 =	sld [smem:$0x3FD9]  }
0x89: {  	s3 =	sld [smem:$0x3FFE];
	_ =	sdelay $0x1  }
0x8a: {  	s1 =	srdreg.scid  }
0x8b: {  	s0 =	sand.u32 $0x1, s1  }
0x8c: {  	s17 =	sshll.u32 s0, $0xA;
	s2 =	sadd.s32 s3, s2  }
0x8d: {  	s2 =	sadd.s32 s2, s17  }
0x8e: {  	[smem:$0x3FC5] =	sst s2  }
0x8f: {  	_ = 	snop  }
0x90: {  	s2 =	sld [smem:$0x3FC7];
	(tm) =	ssettm $0x1  }
0x91: {  	s18 =	sld [smem:$0x3FFB];
	_ =	sdelay $0x3  }
0x92: {  	_ =	strace s18  }
0x93: {  	s3 =	sld [smem:$0x3FFC];
	_ =	sdelay $0x3  }
0x94: {  	_ =	strace s3  }
0x95: {  	s3 =	sld [smem:$0x3FFD];
	_ =	sdelay $0x3  }
0x96: {  	_ =	strace s3  }
0x97: {  	_ =	strace $0x8FFFFFFF  }
0x98: {  	s19 =	sld [smem:$0x3FDB];
	_ =	sdelay $0x1  }
0x99: {  	s4 =	simm.s32 $_scs_section_size  }
0x9a: {  	s5 =	simm.s32 $_size__tile_overlayer_lowered;
	s6 =	simm.s32 $_tile_overlayer_lowered  }
0x9b: {  	s22 =	simm.s32 $0x1BFF;
	s21 =	sshll.u32 s6, $0x1;
	s3 =	sadd.s32 s4, s19  }
0x9c: {  	s7 =	simm.s32 $0x0;
	s20 =	sshll.u32 s5, $0x1;
	s5 =	sadd.s32 s21, s3  }
0x9d: {  	[timem:s7], [sflag:s22] =	dma.local [hbm:s5], s20  }
0x9e: {  	_ =	swait.ge [sflag:s22], s20  }
0x9f: {  	s4 =	ssub.s32 $0x0, s20;
	[sflag:s22] =	ssyncset.done $0x0  }
0xa0: {  	[sflag:s22] =	ssyncadd.s32 s4;
	_ =	sdelay $0x1  }
0xa1: {  	s23 =	simm.s32 $0x1B8B  }
0xa2: {  	_ =	swait.ge [sflag:s23], $0x1  }
0xa3: {  	[sflag:s23] =	ssyncset.done $0x0  }
0xa4: {  	s25 =	simm.s32 $0x1B8E;
	s24 =	sld [smem:$0x3FFE];
	[sflag:s23] =	ssyncadd.s32 $0xFFFFFFFF  }
0xa5: {  	s26 =	simm.s32 $execute0_lowered;
	[smem:$0x3FD2] =	sst s25  }
0xa6: {  	s5 =	sshll.u32 s26, $0x1;
	_ =	strace $0x80000046;
	[dreg:$0x1] =	wrdreg $0xFFFFFFFF  }
0xa7: {  	s28 =	simm.s32 $_size_execute0_lowered;
	s3 =	sadd.s32 s3, s5;
	[dreg:$0x0] =	wrdreg $0x0  }
0xa8: {  	s5 =	sshll.u32 s28, $0x1;
	[dreg:$0x2] =	wrdreg s3  }
0xa9: {  	[dreg:$0x3] =	wrdreg s5  }
0xaa: {  	[dreg:$0x4] =	wrdreg $0xC0  }
0xab: {  	_ =	task [dreg:s7], $0x5FFFF  }
0xac: {  	[dreg:$0x1] =	wrdreg $0xFFFFFFFF  }
0xad: {  	[dreg:$0x0] =	wrdreg $0x60  }
0xae: {  	[dreg:$0x2] =	wrdreg s24  }
0xaf: {  	[dreg:$0x3] =	wrdreg s2  }
0xb0: {  	[dreg:$0x4] =	wrdreg $0x9  }
0xb1: {  	_ =	task.clear_ibuf [dreg:s7], $0x5FFFF;
	_ =	strace $0x90000046  }
0xb2: {  	s29 =	simm.s32 $0x9;
	_ =	strace $0x80000048  }
0xb3: {  	_ =	swait.ge [sflag:s29], $0x1  }
0xb4: {  	[sflag:s29] =	ssyncadd.s32 $0xFFFFFFFF  }
0xb5: {  	_ =	strace $0x90000048  }
0xb6: {  	_ =	sfence  }
0xb7: {  	s30 =	sld [smem:$0x0];
	_ =	sdelay $0x2  }
0xb8: {  	s31 =	sshll.u32 s1, $0xD;
	s1 =	sshrl.u32 s1, $0x2  }
0xb9: {  	s3 =	sand.u32 $0x4000, s31;
	s1 =	sadd.s32 s1, s30  }
0xba: {  	s0 =	sor.u32 s3, s0;
	s1 =	sshll.u32 s1, $0x11  }
0xbb: {  	s0 =	sor.u32 s1, s0  }
0xbc: {  	s0 =	sadd.s32 $0x8F2B, s0  }
0xbd: {  	[sflag:s0] =	ssyncadd.remote.s32 $0x1  }
0xbe: {  	_ =	sfence.sel $0xFFFF  }
0xbf: {  	[dreg:$0x0] =	wrdreg $0xFFFFFFFF;
	(pc) =	sbr.abs _section_cstart, $3  }
0xc0: {  	[dreg:$0x1] =	wrdreg $0xFFFFFFFF  }
0xc1: {  	_ =	task.clear_ibuf [dreg:s7], $0x2FFFF;
	_ =	strace $0x9FFFFFFF  }
0xc2: {  	(tm) =	ssettm $0x7FFFFFFF  }
0xc3: {  	_ =	shalt  }
tec
execute0_lowered:
.L_overlay_start_1:
0x0: {  	(tag) =	ssettag $0x1  }
0x1: {  	s0 =	rddreg [dreg:$0x0]  }
0x2: {  	s1 =	srdreg.scid;
	s11 =	rddreg [dreg:$0x1]  }
0x3: {  	s12 =	stileid.u32;
	s17 =	rddreg [dreg:$0x2];
	s4 =	sand.u32 $0x1, s1  }
0x4: {  	p0 =	por $0x0, $0x0;
	s2 =	sshll.u32 s12, $0x3;
	s3 =	sshll.u32 s4, $0x2  }
0x5: {  	[dreg:$0x3] =	wrdreg s11;
	s1 =	sadd.s32 $0x580400, s0;
	s10 =	sor.u32 s3, s2  }
0x6: {  	s9 =	sadd.s32 $0x581A00, s0;
	s4 =	ssub.s32 $0x2, s4;
	s3 =	smul.u32 $0x2C000, s10  }
0x7: {  	s2 =	simm.s32 $0x0;
	s5 =	smul.u32 $0x5800, s10;
	s14 =	sor.u32 $0x1, s10  }
0x8: {  	[smem:$0x7FF] =	sst s2;
	s20 =	sor.u32 $0x2, s10;
	s7 =	smul.u32 $0x2C000, s14  }
0x9: {  	s11 =	sor.u32 $0x3, s10;
	_ =	strace $0x80000047;
	s22 =	smul.u32 $0x2C000, s20  }
0xa: {  	s31 =	sshrl.u32 s3, $0x3;
	[dreg:$0x4] =	wrdreg s5;
	s5 =	sadd.s32 $0x2C0400, s0  }
0xb: {  	s3 =	sadd.s32 s1, s31;
	s13 =	sadd.s32 s31, s9;
	s30 =	sadd.s32 $0x2C00, s31  }
0xc: {  	s29 =	sadd.s32 $0x4200, s31;
	s16 =	sshrl.u32 s7, $0x3;
	[dreg:$0x5] =	wrdreg s3  }
0xd: {  	s7 =	smul.u32 $0x5800, s11;
	[dreg:$0x6] =	wrdreg s13;
	s6 =	sadd.s32 s1, s30  }
0xe: {  	s15 =	sadd.s32 s1, s29;
	s3 =	smul.u32 $0x5800, s14;
	[dreg:$0x7] =	wrdreg s6  }
0xf: {  	s18 =	sadd.s32 s1, s16;
	s26 =	sadd.s32 $0x1600, s16;
	[dreg:$0x8] =	wrdreg s15  }
0x10: {  	s25 =	sadd.s32 $0x2C00, s16;
	s24 =	sadd.s32 $0x4200, s16;
	[dreg:$0xa] =	wrdreg s18  }
0x11: {  	s16 =	sadd.s32 $0x400, s0;
	s13 =	smul.u32 $0x2C000, s11;
	[dreg:$0x13] =	wrdreg s7  }
0x12: {  	s11 =	simm.s32 $0x100;
	s19 =	sadd.s32 s1, s26;
	[dreg:$0x9] =	wrdreg s3  }
0x13: {  	s21 =	sadd.s32 s1, s25;
	s23 =	sadd.s32 s1, s24;
	[dreg:$0xb] =	wrdreg s19  }
0x14: {  	s6 =	sshrl.u32 s22, $0x3;
	s15 =	sshrl.u32 s4, $0x1;
	[dreg:$0xc] =	wrdreg s21  }
0x15: {  	s3 =	smul.u32 $0x5800, s20;
	[dreg:$0xd] =	wrdreg s23;
	s23 =	sadd.s32 $0x1600, s6  }
0x16: {  	s22 =	sadd.s32 $0x2C00, s6;
	s21 =	sadd.s32 $0x4200, s6;
	s20 =	sshrl.u32 s13, $0x3  }
0x17: {  	s4 =	ssub.s32 s4, s15;
	s8 =	sadd.s32 s1, s23;
	[dreg:$0xe] =	wrdreg s3  }
0x18: {  	s15 =	sadd.s32 $0x2C1A00, s0;
	s14 =	sadd.s32 s1, s21;
	[dreg:$0x10] =	wrdreg s8  }
0x19: {  	s13 =	simm.s32 $0x1;
	s7 =	sadd.s32 s20, s9;
	[dreg:$0x12] =	wrdreg s14  }
0x1a: {  	s19 =	sadd.s32 $0x2C00, s20;
	s9 =	smax.u32 s4, $0x1;
	[dreg:$0x15] =	wrdreg s7  }
0x1b: {  	s3 =	sadd.s32 s1, s6;
	s14 =	sadd.s32 $0x1A00, s0;
	s0 =	rddreg [dreg:$0x3]  }
0x1c: {  	s8 =	sadd.s32 s1, s22;
	p1 =	sne.s32 s9, $0x1;
	[dreg:$0xf] =	wrdreg s3  }
.Ltmp0:
0x1d: {  	[dreg:$0x11] =	wrdreg s8;
	s3 =	sadd.s32 s1, s20;
	(pc) =	sbr.rel @!p1 .LBB2_5-.Ltmp0, $4  }
0x1e: {  	s18 =	sadd.s32 $0x4200, s20;
	s8 =	sadd.s32 s1, s19;
	[dreg:$0x14] =	wrdreg s3  }
0x1f: {  	s7 =	simm.s32 $0x2;
	s1 =	sadd.s32 s1, s18;
	[dreg:$0x16] =	wrdreg s8  }
0x20: {  	s28 =	sadd.s32 $0xFFFFFFFF, s9;
	s6 =	simm.s32 $0x4;
	[dreg:$0x17] =	wrdreg s1  }
0x21: {  	s1 =	simm.s32 $0x5;
	s3 =	simm.s32 $0xB100;
	s8 =	simm.s32 $0x3  }
0x22: {  	[tilespmem:s2], [sflag:$0x5] =	stream.linear.gather [hbm4b:s0+s2], $0x80, $0x38;
	[tilespmem:$0x16100] =	vst v63  }
0x23: {  	_ =	swait.ge [sflag:s1], $0x80  }
0x24: {  	[sflag:s1] =	ssyncset.done $0x0  }
0x25: {  	[sflag:s1] =	ssyncadd.s32 $0xFFFFFF80  }
0x26: {  	v0 =	vld [tilespmem:s10+$0x0];
	_ =	sdelay $0x4  }
0x27: {  	(v2sf) =	vpush v0, $0x0;
	_ =	sdelay $0x6  }
0x28: {  	(v2sf) =	vpush v0, $0x1;
	_ =	sdelay $0x1  }
0x29: {  	(v2sf) =	vpush v0, $0x2;
	_ =	sdelay $0x5  }
0x2a: {  	s9 =	spop (v2sf);
	(v2sf) =	vpush v0, $0x3  }
0x2b: {  	s1 =	smov.u32 s16;
	p0 =	seq.s32 s9, $0x0  }
0x2c: {  	s12 =	rddreg [dreg:$0x4];
	s1 =	smov.u32 @p0 s5  }
0x2d: {  	s0 =	sadd.s32 s1, s12  }
0x2e: {  	[tilespmem:s11], [sflag:$0x1] =	stream.linear.gather [hbm4b:s0+s2], $0xB000, $0x38;
	[tilespmem:$0x16100] =	vst v63  }
0x2f: {  	p0 =	seq.s32 s9, $0x1;
	s1 =	smov.u32 s14;
	_ =	swait.ge [sflag:s13], $0xB000  }
0x30: {  	s1 =	smov.u32 @p0 s15;
	[sflag:s13] =	ssyncset.done $0x0  }
0x31: {  	s17 =	rddreg [dreg:$0x5];
	s4 =	spop (v2sf);
	[sflag:s13] =	ssyncadd.s32 $0xFFFF5000  }
0x32: {  	[hbm4b:s17+s2] =	stream.linear.scatter [tilespmem:s11], [sflag:$0x3], $0xB000, $0x38;
	[tilespmem:$0x16100] =	vst v63  }
0x33: {  	s1 =	sadd.s32 s31, s1;
	s0 =	spop (v2sf)  }
0x34: {  	[tilespmem:s3], [sflag:$0x2] =	stream.linear.gather [hbm4b:s1+s2], $0xB000, $0x38;
	[tilespmem:$0x16100] =	vst v63  }
0x35: {  	_ =	swait.ge [sflag:s7], $0xB000  }
0x36: {  	[sflag:s7] =	ssyncset.done $0x0  }
0x37: {  	s12 =	rddreg [dreg:$0x6];
	[sflag:s7] =	ssyncadd.s32 $0xFFFF5000  }
0x38: {  	[hbm4b:s12+s2] =	stream.linear.scatter [tilespmem:s3], [sflag:$0x4], $0xB000, $0x38;
	[tilespmem:$0x16100] =	vst v63  }
0x39: {  	[dreg:$0x1a] =	wrdreg s10;
	s1 =	spop (v2sf)  }
0x3a: {  	p0 =	seq.s32 s9, $0x2;
	s10 =	smov.u32 s16;
	_ =	swait.ge [sflag:s8], $0xB000  }
0x3b: {  	s10 =	smov.u32 @p0 s5;
	[sflag:s8] =	ssyncset.done $0x0  }
0x3c: {  	s10 =	sadd.s32 s10, s30;
	[sflag:s8] =	ssyncadd.s32 $0xFFFF5000  }
0x3d: {  	[tilespmem:s11], [sflag:$0x1] =	stream.linear.gather [hbm4b:s10+s2], $0xB000, $0x38;
	[tilespmem:$0x16100] =	vst v63  }
0x3e: {  	_ =	swait.ge [sflag:s13], $0xB000  }
0x3f: {  	[sflag:s13] =	ssyncset.done $0x0  }
0x40: {  	s17 =	rddreg [dreg:$0x7];
	[sflag:s13] =	ssyncadd.s32 $0xFFFF5000  }
0x41: {  	[hbm4b:s17+s2] =	stream.linear.scatter [tilespmem:s11], [sflag:$0x3], $0xB000, $0x38;
	[tilespmem:$0x16100] =	vst v63  }
0x42: {  	p0 =	seq.s32 s9, $0x3;
	s9 =	smov.u32 s16;
	_ =	swait.ge [sflag:s6], $0xB000  }
0x43: {  	s9 =	smov.u32 @p0 s5;
	[sflag:s6] =	ssyncset.done $0x0  }
0x44: {  	s9 =	sadd.s32 s9, s29;
	[sflag:s6] =	ssyncadd.s32 $0xFFFF5000  }
0x45: {  	[tilespmem:s3], [sflag:$0x2] =	stream.linear.gather [hbm4b:s9+s2], $0xB000, $0x38;
	[tilespmem:$0x16100] =	vst v63  }
0x46: {  	_ =	swait.ge [sflag:s7], $0xB000  }
0x47: {  	[sflag:s7] =	ssyncset.done $0x0  }
0x48: {  	s12 =	rddreg [dreg:$0x8];
	[sflag:s7] =	ssyncadd.s32 $0xFFFF5000  }
0x49: {  	[hbm4b:s12+s2] =	stream.linear.scatter [tilespmem:s3], [sflag:$0x4], $0xB000, $0x38;
	[tilespmem:$0x16100] =	vst v63  }
0x4a: {  	p0 =	seq.s32 s4, $0x0;
	s10 =	smov.u32 s16;
	_ =	swait.ge [sflag:s8], $0xB000  }
0x4b: {  	s10 =	smov.u32 @p0 s5;
	s17 =	rddreg [dreg:$0x9];
	[sflag:s8] =	ssyncset.done $0x0  }
0x4c: {  	s9 =	sadd.s32 s10, s17;
	[sflag:s8] =	ssyncadd.s32 $0xFFFF5000  }
0x4d: {  	[tilespmem:s11], [sflag:$0x1] =	stream.linear.gather [hbm4b:s9+s2], $0xB000, $0x38;
	[tilespmem:$0x16100] =	vst v63  }
0x4e: {  	_ =	swait.ge [sflag:s13], $0xB000  }
0x4f: {  	[sflag:s13] =	ssyncset.done $0x0  }
0x50: {  	s10 =	rddreg [dreg:$0xa];
	[sflag:s13] =	ssyncadd.s32 $0xFFFF5000  }
0x51: {  	[hbm4b:s10+s2] =	stream.linear.scatter [tilespmem:s11], [sflag:$0x3], $0xB000, $0x38;
	[tilespmem:$0x16100] =	vst v63  }
0x52: {  	p0 =	seq.s32 s4, $0x1;
	s9 =	smov.u32 s16;
	_ =	swait.ge [sflag:s6], $0xB000  }
0x53: {  	s9 =	smov.u32 @p0 s5;
	[sflag:s6] =	ssyncset.done $0x0  }
0x54: {  	s9 =	sadd.s32 s9, s26;
	[sflag:s6] =	ssyncadd.s32 $0xFFFF5000  }
0x55: {  	[tilespmem:s3], [sflag:$0x2] =	stream.linear.gather [hbm4b:s9+s2], $0xB000, $0x38;
	[tilespmem:$0x16100] =	vst v63  }
0x56: {  	_ =	swait.ge [sflag:s7], $0xB000  }
0x57: {  	[sflag:s7] =	ssyncset.done $0x0  }
0x58: {  	s12 =	rddreg [dreg:$0xb];
	[sflag:s7] =	ssyncadd.s32 $0xFFFF5000  }
0x59: {  	[hbm4b:s12+s2] =	stream.linear.scatter [tilespmem:s3], [sflag:$0x4], $0xB000, $0x38;
	[tilespmem:$0x16100] =	vst v63  }
0x5a: {  	p0 =	seq.s32 s4, $0x2;
	s9 =	smov.u32 s16;
	_ =	swait.ge [sflag:s8], $0xB000  }
0x5b: {  	s9 =	smov.u32 @p0 s5;
	[sflag:s8] =	ssyncset.done $0x0  }
0x5c: {  	s9 =	sadd.s32 s9, s25;
	[sflag:s8] =	ssyncadd.s32 $0xFFFF5000  }
0x5d: {  	[tilespmem:s11], [sflag:$0x1] =	stream.linear.gather [hbm4b:s9+s2], $0xB000, $0x38;
	[tilespmem:$0x16100] =	vst v63  }
0x5e: {  	_ =	swait.ge [sflag:s13], $0xB000  }
0x5f: {  	[sflag:s13] =	ssyncset.done $0x0  }
0x60: {  	s17 =	rddreg [dreg:$0xc];
	[sflag:s13] =	ssyncadd.s32 $0xFFFF5000  }
0x61: {  	[hbm4b:s17+s2] =	stream.linear.scatter [tilespmem:s11], [sflag:$0x3], $0xB000, $0x38;
	[tilespmem:$0x16100] =	vst v63  }
0x62: {  	p0 =	seq.s32 s4, $0x3;
	s4 =	smov.u32 s16;
	_ =	swait.ge [sflag:s6], $0xB000  }
0x63: {  	s4 =	smov.u32 @p0 s5;
	[sflag:s6] =	ssyncset.done $0x0  }
0x64: {  	s4 =	sadd.s32 s4, s24;
	[sflag:s6] =	ssyncadd.s32 $0xFFFF5000  }
0x65: {  	[tilespmem:s3], [sflag:$0x2] =	stream.linear.gather [hbm4b:s4+s2], $0xB000, $0x38;
	[tilespmem:$0x16100] =	vst v63  }
0x66: {  	_ =	swait.ge [sflag:s7], $0xB000  }
0x67: {  	[sflag:s7] =	ssyncset.done $0x0  }
0x68: {  	s10 =	rddreg [dreg:$0xd];
	[sflag:s7] =	ssyncadd.s32 $0xFFFF5000  }
0x69: {  	[hbm4b:s10+s2] =	stream.linear.scatter [tilespmem:s3], [sflag:$0x4], $0xB000, $0x38;
	[tilespmem:$0x16100] =	vst v63  }
0x6a: {  	p0 =	seq.s32 s0, $0x0;
	s9 =	smov.u32 s16;
	_ =	swait.ge [sflag:s8], $0xB000  }
0x6b: {  	s9 =	smov.u32 @p0 s5;
	s12 =	rddreg [dreg:$0xe];
	[sflag:s8] =	ssyncset.done $0x0  }
0x6c: {  	s4 =	sadd.s32 s9, s12;
	[sflag:s8] =	ssyncadd.s32 $0xFFFF5000  }
0x6d: {  	[tilespmem:s11], [sflag:$0x1] =	stream.linear.gather [hbm4b:s4+s2], $0xB000, $0x38;
	[tilespmem:$0x16100] =	vst v63  }
0x6e: {  	_ =	swait.ge [sflag:s13], $0xB000  }
0x6f: {  	[sflag:s13] =	ssyncset.done $0x0  }
0x70: {  	s17 =	rddreg [dreg:$0xf];
	[sflag:s13] =	ssyncadd.s32 $0xFFFF5000  }
0x71: {  	[hbm4b:s17+s2] =	stream.linear.scatter [tilespmem:s11], [sflag:$0x3], $0xB000, $0x38;
	[tilespmem:$0x16100] =	vst v63  }
0x72: {  	p0 =	seq.s32 s0, $0x1;
	s4 =	smov.u32 s16;
	_ =	swait.ge [sflag:s6], $0xB000  }
0x73: {  	s4 =	smov.u32 @p0 s5;
	[sflag:s6] =	ssyncset.done $0x0  }
0x74: {  	s4 =	sadd.s32 s4, s23;
	[sflag:s6] =	ssyncadd.s32 $0xFFFF5000  }
0x75: {  	[tilespmem:s3], [sflag:$0x2] =	stream.linear.gather [hbm4b:s4+s2], $0xB000, $0x38;
	[tilespmem:$0x16100] =	vst v63  }
0x76: {  	_ =	swait.ge [sflag:s7], $0xB000  }
0x77: {  	[sflag:s7] =	ssyncset.done $0x0  }
0x78: {  	s9 =	rddreg [dreg:$0x10];
	[sflag:s7] =	ssyncadd.s32 $0xFFFF5000  }
0x79: {  	[hbm4b:s9+s2] =	stream.linear.scatter [tilespmem:s3], [sflag:$0x4], $0xB000, $0x38;
	[tilespmem:$0x16100] =	vst v63  }
0x7a: {  	p0 =	seq.s32 s0, $0x2;
	s4 =	smov.u32 s16;
	_ =	swait.ge [sflag:s8], $0xB000  }
0x7b: {  	s4 =	smov.u32 @p0 s5;
	[sflag:s8] =	ssyncset.done $0x0  }
0x7c: {  	s4 =	sadd.s32 s4, s22;
	[sflag:s8] =	ssyncadd.s32 $0xFFFF5000  }
0x7d: {  	[tilespmem:s11], [sflag:$0x1] =	stream.linear.gather [hbm4b:s4+s2], $0xB000, $0x38;
	[tilespmem:$0x16100] =	vst v63  }
0x7e: {  	_ =	swait.ge [sflag:s13], $0xB000  }
0x7f: {  	[sflag:s13] =	ssyncset.done $0x0  }
0x80: {  	s10 =	rddreg [dreg:$0x11];
	[sflag:s13] =	ssyncadd.s32 $0xFFFF5000  }
0x81: {  	[hbm4b:s10+s2] =	stream.linear.scatter [tilespmem:s11], [sflag:$0x3], $0xB000, $0x38;
	[tilespmem:$0x16100] =	vst v63  }
0x82: {  	p0 =	seq.s32 s0, $0x3;
	s0 =	smov.u32 s16;
	_ =	swait.ge [sflag:s6], $0xB000  }
0x83: {  	s0 =	smov.u32 @p0 s5;
	[sflag:s6] =	ssyncset.done $0x0  }
0x84: {  	s0 =	sadd.s32 s0, s21;
	[sflag:s6] =	ssyncadd.s32 $0xFFFF5000  }
0x85: {  	[tilespmem:s3], [sflag:$0x2] =	stream.linear.gather [hbm4b:s0+s2], $0xB000, $0x38;
	[tilespmem:$0x16100] =	vst v63  }
0x86: {  	_ =	swait.ge [sflag:s7], $0xB000  }
0x87: {  	[sflag:s7] =	ssyncset.done $0x0  }
0x88: {  	s12 =	rddreg [dreg:$0x12];
	[sflag:s7] =	ssyncadd.s32 $0xFFFF5000  }
0x89: {  	[hbm4b:s12+s2] =	stream.linear.scatter [tilespmem:s3], [sflag:$0x4], $0xB000, $0x38;
	[tilespmem:$0x16100] =	vst v63  }
0x8a: {  	p0 =	seq.s32 s1, $0x0;
	s4 =	smov.u32 s16;
	_ =	swait.ge [sflag:s8], $0xB000  }
0x8b: {  	s4 =	smov.u32 @p0 s5;
	s17 =	rddreg [dreg:$0x13];
	[sflag:s8] =	ssyncset.done $0x0  }
0x8c: {  	s0 =	sadd.s32 s4, s17;
	[sflag:s8] =	ssyncadd.s32 $0xFFFF5000  }
0x8d: {  	[tilespmem:s11], [sflag:$0x1] =	stream.linear.gather [hbm4b:s0+s2], $0xB000, $0x38;
	[tilespmem:$0x16100] =	vst v63  }
0x8e: {  	_ =	swait.ge [sflag:s13], $0xB000  }
0x8f: {  	[sflag:s13] =	ssyncset.done $0x0  }
0x90: {  	s9 =	rddreg [dreg:$0x14];
	[sflag:s13] =	ssyncadd.s32 $0xFFFF5000  }
0x91: {  	[hbm4b:s9+s2] =	stream.linear.scatter [tilespmem:s11], [sflag:$0x3], $0xB000, $0x38;
	[tilespmem:$0x16100] =	vst v63  }
0x92: {  	p0 =	seq.s32 s1, $0x1;
	s0 =	smov.u32 s14;
	_ =	swait.ge [sflag:s6], $0xB000  }
0x93: {  	s0 =	smov.u32 @p0 s15;
	[sflag:s6] =	ssyncset.done $0x0  }
0x94: {  	s0 =	sadd.s32 s20, s0;
	[sflag:s6] =	ssyncadd.s32 $0xFFFF5000  }
0x95: {  	[tilespmem:s3], [sflag:$0x2] =	stream.linear.gather [hbm4b:s0+s2], $0xB000, $0x38;
	[tilespmem:$0x16100] =	vst v63  }
0x96: {  	_ =	swait.ge [sflag:s7], $0xB000  }
0x97: {  	[sflag:s7] =	ssyncset.done $0x0  }
0x98: {  	s10 =	rddreg [dreg:$0x15];
	[sflag:s7] =	ssyncadd.s32 $0xFFFF5000  }
0x99: {  	[hbm4b:s10+s2] =	stream.linear.scatter [tilespmem:s3], [sflag:$0x4], $0xB000, $0x38;
	[tilespmem:$0x16100] =	vst v63  }
0x9a: {  	p0 =	seq.s32 s1, $0x2;
	s0 =	smov.u32 s16;
	_ =	swait.ge [sflag:s8], $0xB000  }
0x9b: {  	s0 =	smov.u32 @p0 s5;
	[sflag:s8] =	ssyncset.done $0x0  }
0x9c: {  	s0 =	sadd.s32 s0, s19;
	[sflag:s8] =	ssyncadd.s32 $0xFFFF5000  }
0x9d: {  	[tilespmem:s11], [sflag:$0x1] =	stream.linear.gather [hbm4b:s0+s2], $0xB000, $0x38;
	[tilespmem:$0x16100] =	vst v63  }
0x9e: {  	_ =	swait.ge [sflag:s13], $0xB000  }
0x9f: {  	[sflag:s13] =	ssyncset.done $0x0  }
0xa0: {  	s12 =	rddreg [dreg:$0x16];
	[sflag:s13] =	ssyncadd.s32 $0xFFFF5000  }
0xa1: {  	[hbm4b:s12+s2] =	stream.linear.scatter [tilespmem:s11], [sflag:$0x3], $0xB000, $0x38;
	[tilespmem:$0x16100] =	vst v63  }
0xa2: {  	p0 =	seq.s32 s1, $0x3;
	s0 =	smov.u32 s16;
	_ =	swait.ge [sflag:s6], $0xB000  }
0xa3: {  	s0 =	smov.u32 @p0 s5;
	[sflag:s6] =	ssyncset.done $0x0  }
0xa4: {  	s0 =	sadd.s32 s0, s18;
	[sflag:s6] =	ssyncadd.s32 $0xFFFF5000  }
0xa5: {  	[tilespmem:s3], [sflag:$0x2] =	stream.linear.gather [hbm4b:s0+s2], $0xB000, $0x38;
	[tilespmem:$0x16100] =	vst v63  }
0xa6: {  	_ =	swait.ge [sflag:s7], $0xB000  }
0xa7: {  	[sflag:s7] =	ssyncset.done $0x0  }
0xa8: {  	s17 =	rddreg [dreg:$0x17];
	[sflag:s7] =	ssyncadd.s32 $0xFFFF5000  }
0xa9: {  	[hbm4b:s17+s2] =	stream.linear.scatter [tilespmem:s3], [sflag:$0x4], $0xB000, $0x38;
	[tilespmem:$0x16100] =	vst v63  }
0xaa: {  	_ =	swait.ge [sflag:s8], $0xB000  }
0xab: {  	[sflag:s8] =	ssyncset.done $0x0  }
0xac: {  	p1 =	sne.s32 s28, $0x1;
	[sflag:s8] =	ssyncadd.s32 $0xFFFF5000  }
.Ltmp1:
0xad: {  	_ =	swait.ge [sflag:s6], $0xB000;
	[dreg:$0x1b] =	wrdreg s29;
	(pc) =	sbr.rel @!p1 .LBB2_2-.Ltmp1, $4  }
0xae: {  	[dreg:$0x1c] =	wrdreg s30  }
0xaf: {  	[dreg:$0x18] =	wrdreg s14  }
0xb0: {  	s28 =	sadd.s32 $0xFFFFFFFF, s28;
	[dreg:$0x19] =	wrdreg s31  }
0xb1: {  	p0 =	por $0x1, $0x1;
	s0 =	rddreg [dreg:$0x3];
	[sflag:s6] =	ssyncset.done $0x0  }
.LBB2_3:
0xb2: {  	[sflag:s6] =	ssyncadd.s32 $0xFFFF5000;
	s17 =	simm.s32 $0x5  }
0xb3: {  	[tilespmem:s2], [sflag:$0x5] =	stream.linear.gather [hbm4b:s0+s2], $0x80, $0x38;
	[tilespmem:$0x16100] =	vst v63  }
0xb4: {  	_ =	swait.ge [sflag:s17], $0x80  }
0xb5: {  	[sflag:s17] =	ssyncset.done $0x0  }
0xb6: {  	s29 =	rddreg [dreg:$0x1a];
	[sflag:s17] =	ssyncadd.s32 $0xFFFFFF80  }
0xb7: {  	v0 =	vld [tilespmem:s29+$0x0];
	_ =	sdelay $0x4  }
0xb8: {  	(v2sf) =	vpush v0, $0x0;
	_ =	sdelay $0x6  }
0xb9: {  	(v2sf) =	vpush v0, $0x1;
	_ =	sdelay $0x1  }
0xba: {  	(v2sf) =	vpush v0, $0x2;
	_ =	sdelay $0x4  }
0xbb: {  	s4 =	smov.u32 s16;
	s9 =	smov.u32 s14  }
0xbc: {  	s12 =	smov.u32 s16;
	s10 =	smov.u32 s16;
	s1 =	spop (v2sf)  }
0xbd: {  	s30 =	rddreg [dreg:$0x4];
	s17 =	smov.u32 s16;
	p2 =	seq.s32 s1, $0x0  }
0xbe: {  	p3 =	seq.s32 s1, $0x1;
	p4 =	seq.s32 s1, $0x2;
	s4 =	smov.u32 @p2 s5  }
0xbf: {  	s9 =	smov.u32 @p3 s15;
	p2 =	seq.s32 s1, $0x3;
	s17 =	smov.u32 @p4 s5  }
0xc0: {  	s0 =	sadd.s32 s4, s30;
	s12 =	smov.u32 @p2 s5;
	s4 =	smov.u32 s16  }
0xc1: {  	(v2sf) =	vpush v0, $0x3;
	[tilespmem:s11], [sflag:$0x1] =	stream.linear.gather [hbm4b:s0+s2], $0xB000, $0x38;
	[tilespmem:$0x16100] =	vst v63  }
0xc2: {  	s30 =	smov.u32 s16;
	s0 =	smov.u32 s16;
	_ =	swait.ge [sflag:s13], $0xB000  }
0xc3: {  	s1 =	spop (v2sf);
	s6 =	rddreg [dreg:$0x5];
	[sflag:s13] =	ssyncset.done $0x0  }
0xc4: {  	p4 =	seq.s32 s1, $0x0;
	p2 =	seq.s32 s1, $0x1;
	[sflag:s13] =	ssyncadd.s32 $0xFFFF5000  }
0xc5: {  	s13 =	sadd.s32 s31, s9;
	s14 =	spop (v2sf);
	s9 =	smov.u32 s16  }
0xc6: {  	[hbm4b:s6+s2] =	stream.linear.scatter [tilespmem:s11], [sflag:$0x3], $0xB000, $0x38;
	[tilespmem:$0x16100] =	vst v63  }
0xc7: {  	s10 =	smov.u32 @p2 s5;
	p2 =	seq.s32 s1, $0x2;
	p3 =	seq.s32 s14, $0x0  }
0xc8: {  	s6 =	simm.s32 $0x100;
	s4 =	smov.u32 @p2 s5;
	p2 =	seq.s32 s1, $0x3  }
0xc9: {  	[tilespmem:s3], [sflag:$0x2] =	stream.linear.gather [hbm4b:s13+s2], $0xB000, $0x38;
	[tilespmem:$0x16100] =	vst v63  }
0xca: {  	s1 =	smov.u32 s16;
	s0 =	smov.u32 @p2 s5;
	p2 =	seq.s32 s14, $0x1  }
0xcb: {  	_ =	swait.ge [sflag:s7], $0xB000;
	s1 =	smov.u32 @p2 s5;
	p2 =	seq.s32 s14, $0x2  }
0xcc: {  	s29 =	rddreg [dreg:$0x6];
	[sflag:s7] =	ssyncset.done $0x0;
	s30 =	smov.u32 @p2 s5  }
0xcd: {  	p2 =	seq.s32 s14, $0x3;
	s14 =	smov.u32 s26;
	s26 =	smov.u32 s25  }
0xce: {  	s25 =	smov.u32 s24;
	s24 =	smov.u32 s23;
	s23 =	smov.u32 s22  }
0xcf: {  	s22 =	smov.u32 s21;
	s21 =	smov.u32 s20;
	[sflag:s7] =	ssyncadd.s32 $0xFFFF5000  }
0xd0: {  	[hbm4b:s29+s2] =	stream.linear.scatter [tilespmem:s3], [sflag:$0x4], $0xB000, $0x38;
	[tilespmem:$0x16100] =	vst v63  }
0xd1: {  	s20 =	smov.u32 s19;
	s19 =	smov.u32 s18;
	s18 =	spop (v2sf)  }
0xd2: {  	s13 =	simm.s32 $0x3;
	s9 =	smov.u32 @p2 s5;
	_ =	swait.ge [sflag:s8], $0xB000  }
0xd3: {  	s7 =	simm.s32 $0x4;
	s3 =	simm.s32 $0x1;
	s31 =	rddreg [dreg:$0x18]  }
0xd4: {  	p5 =	seq.s32 s18, $0x1;
	[sflag:s8] =	ssyncset.done $0x0;
	s29 =	rddreg [dreg:$0x1c]  }
0xd5: {  	s31 =	smov.u32 @p5 s15;
	[sflag:s13] =	ssyncadd.s32 $0xFFFF5000;
	s29 =	sadd.s32 s17, s29  }
0xd6: {  	[tilespmem:s6], [sflag:$0x1] =	stream.linear.gather [hbm4b:s29+s2], $0xB000, $0x38;
	[tilespmem:$0x16100] =	vst v63  }
0xd7: {  	p5 =	seq.s32 s18, $0x2;
	s17 =	smov.u32 s16;
	_ =	swait.ge [sflag:s3], $0xB000  }
0xd8: {  	p2 =	seq.s32 s18, $0x0;
	s17 =	smov.u32 @p5 s5;
	[sflag:s3] =	ssyncset.done $0x0  }
0xd9: {  	p5 =	seq.s32 s18, $0x3;
	s18 =	rddreg [dreg:$0x7];
	[sflag:s3] =	ssyncadd.s32 $0xFFFF5000  }
0xda: {  	[hbm4b:s18+s2] =	stream.linear.scatter [tilespmem:s6], [sflag:$0x3], $0xB000, $0x38;
	[tilespmem:$0x16100] =	vst v63  }
0xdb: {  	_ =	swait.ge [sflag:s7], $0xB000  }
0xdc: {  	s11 =	simm.s32 $0xB100;
	[sflag:s7] =	ssyncset.done $0x0;
	s18 =	rddreg [dreg:$0x1b]  }
0xdd: {  	s8 =	simm.s32 $0x2;
	[sflag:s7] =	ssyncadd.s32 $0xFFFF5000;
	s12 =	sadd.s32 s12, s18  }
0xde: {  	[tilespmem:s11], [sflag:$0x2] =	stream.linear.gather [hbm4b:s12+s2], $0xB000, $0x38;
	[tilespmem:$0x16100] =	vst v63  }
0xdf: {  	_ =	swait.ge [sflag:s8], $0xB000  }
0xe0: {  	[sflag:s8] =	ssyncset.done $0x0  }
0xe1: {  	s18 =	rddreg [dreg:$0x8];
	[sflag:s8] =	ssyncadd.s32 $0xFFFF5000  }
0xe2: {  	[hbm4b:s18+s2] =	stream.linear.scatter [tilespmem:s11], [sflag:$0x4], $0xB000, $0x38;
	[tilespmem:$0x16100] =	vst v63  }
0xe3: {  	s18 =	smov.u32 s16;
	_ =	swait.ge [sflag:s13], $0xB000  }
0xe4: {  	s18 =	smov.u32 @p4 s5;
	s12 =	rddreg [dreg:$0x9];
	[sflag:s13] =	ssyncset.done $0x0  }
0xe5: {  	[sflag:s13] =	ssyncadd.s32 $0xFFFF5000;
	s12 =	sadd.s32 s18, s12  }
0xe6: {  	[tilespmem:s6], [sflag:$0x1] =	stream.linear.gather [hbm4b:s12+s2], $0xB000, $0x38;
	[tilespmem:$0x16100] =	vst v63  }
0xe7: {  	_ =	swait.ge [sflag:s3], $0xB000  }
0xe8: {  	[sflag:s3] =	ssyncset.done $0x0  }
0xe9: {  	s12 =	rddreg [dreg:$0xa];
	[sflag:s3] =	ssyncadd.s32 $0xFFFF5000  }
0xea: {  	[hbm4b:s12+s2] =	stream.linear.scatter [tilespmem:s6], [sflag:$0x3], $0xB000, $0x38;
	[tilespmem:$0x16100] =	vst v63  }
0xeb: {  	_ =	swait.ge [sflag:s7], $0xB000  }
0xec: {  	[sflag:s7] =	ssyncset.done $0x0  }
0xed: {  	s10 =	sadd.s32 s10, s14;
	[sflag:s7] =	ssyncadd.s32 $0xFFFF5000  }
0xee: {  	[tilespmem:s11], [sflag:$0x2] =	stream.linear.gather [hbm4b:s10+s2], $0xB000, $0x38;
	[tilespmem:$0x16100] =	vst v63  }
0xef: {  	s18 =	smov.u32 s19;
	_ =	swait.ge [sflag:s8], $0xB000  }
0xf0: {  	s19 =	smov.u32 s20;
	s20 =	smov.u32 s21;
	[sflag:s8] =	ssyncset.done $0x0  }
0xf1: {  	s21 =	smov.u32 s22;
	s3 =	rddreg [dreg:$0xb];
	[sflag:s8] =	ssyncadd.s32 $0xFFFF5000  }
0xf2: {  	[hbm4b:s3+s2] =	stream.linear.scatter [tilespmem:s11], [sflag:$0x4], $0xB000, $0x38;
	[tilespmem:$0x16100] =	vst v63  }
0xf3: {  	s22 =	smov.u32 s23;
	s23 =	smov.u32 s24;
	_ =	swait.ge [sflag:s13], $0xB000  }
0xf4: {  	s24 =	smov.u32 s25;
	s25 =	smov.u32 s26;
	[sflag:s13] =	ssyncset.done $0x0  }
0xf5: {  	s4 =	sadd.s32 s4, s25;
	[sflag:s13] =	ssyncadd.s32 $0xFFFF5000;
	s13 =	simm.s32 $0x1  }
0xf6: {  	[tilespmem:s6], [sflag:$0x1] =	stream.linear.gather [hbm4b:s4+s2], $0xB000, $0x38;
	[tilespmem:$0x16100] =	vst v63  }
0xf7: {  	_ =	swait.ge [sflag:s13], $0xB000  }
0xf8: {  	[sflag:s13] =	ssyncset.done $0x0  }
0xf9: {  	s10 =	rddreg [dreg:$0xc];
	[sflag:s13] =	ssyncadd.s32 $0xFFFF5000  }
0xfa: {  	[hbm4b:s10+s2] =	stream.linear.scatter [tilespmem:s6], [sflag:$0x3], $0xB000, $0x38;
	[tilespmem:$0x16100] =	vst v63  }
0xfb: {  	_ =	swait.ge [sflag:s7], $0xB000  }
0xfc: {  	[sflag:s7] =	ssyncset.done $0x0  }
0xfd: {  	s0 =	sadd.s32 s0, s24;
	[sflag:s7] =	ssyncadd.s32 $0xFFFF5000  }
0xfe: {  	[tilespmem:s11], [sflag:$0x2] =	stream.linear.gather [hbm4b:s0+s2], $0xB000, $0x38;
	[tilespmem:$0x16100] =	vst v63  }
0xff: {  	_ =	swait.ge [sflag:s8], $0xB000  }
0x100: {  	[sflag:s8] =	ssyncset.done $0x0  }
0x101: {  	s12 =	rddreg [dreg:$0xd];
	[sflag:s8] =	ssyncadd.s32 $0xFFFF5000;
	s8 =	simm.s32 $0x3  }
0x102: {  	[hbm4b:s12+s2] =	stream.linear.scatter [tilespmem:s11], [sflag:$0x4], $0xB000, $0x38;
	[tilespmem:$0x16100] =	vst v63  }
0x103: {  	s26 =	smov.u32 s14;
	s4 =	smov.u32 s16;
	_ =	swait.ge [sflag:s8], $0xB000  }
0x104: {  	s4 =	smov.u32 @p3 s5;
	s14 =	rddreg [dreg:$0xe];
	[sflag:s8] =	ssyncset.done $0x0  }
0x105: {  	[sflag:s8] =	ssyncadd.s32 $0xFFFF5000;
	s0 =	sadd.s32 s4, s14  }
0x106: {  	[tilespmem:s6], [sflag:$0x1] =	stream.linear.gather [hbm4b:s0+s2], $0xB000, $0x38;
	[tilespmem:$0x16100] =	vst v63  }
0x107: {  	_ =	swait.ge [sflag:s13], $0xB000  }
0x108: {  	[sflag:s13] =	ssyncset.done $0x0  }
0x109: {  	s3 =	rddreg [dreg:$0xf];
	[sflag:s13] =	ssyncadd.s32 $0xFFFF5000  }
0x10a: {  	[hbm4b:s3+s2] =	stream.linear.scatter [tilespmem:s6], [sflag:$0x3], $0xB000, $0x38;
	[tilespmem:$0x16100] =	vst v63  }
0x10b: {  	_ =	swait.ge [sflag:s7], $0xB000  }
0x10c: {  	[sflag:s7] =	ssyncset.done $0x0  }
0x10d: {  	s4 =	sadd.s32 s1, s23;
	[sflag:s7] =	ssyncadd.s32 $0xFFFF5000;
	s7 =	simm.s32 $0x2  }
0x10e: {  	[tilespmem:s11], [sflag:$0x2] =	stream.linear.gather [hbm4b:s4+s2], $0xB000, $0x38;
	[tilespmem:$0x16100] =	vst v63  }
0x10f: {  	_ =	swait.ge [sflag:s7], $0xB000  }
0x110: {  	[sflag:s7] =	ssyncset.done $0x0  }
0x111: {  	s10 =	rddreg [dreg:$0x10];
	[sflag:s7] =	ssyncadd.s32 $0xFFFF5000  }
0x112: {  	[hbm4b:s10+s2] =	stream.linear.scatter [tilespmem:s11], [sflag:$0x4], $0xB000, $0x38;
	[tilespmem:$0x16100] =	vst v63  }
0x113: {  	_ =	swait.ge [sflag:s8], $0xB000  }
0x114: {  	[sflag:s8] =	ssyncset.done $0x0  }
0x115: {  	s12 =	sadd.s32 s30, s22;
	[sflag:s8] =	ssyncadd.s32 $0xFFFF5000  }
0x116: {  	[tilespmem:s6], [sflag:$0x1] =	stream.linear.gather [hbm4b:s12+s2], $0xB000, $0x38;
	[tilespmem:$0x16100] =	vst v63  }
0x117: {  	_ =	swait.ge [sflag:s13], $0xB000  }
0x118: {  	[sflag:s13] =	ssyncset.done $0x0  }
0x119: {  	s14 =	rddreg [dreg:$0x11];
	[sflag:s13] =	ssyncadd.s32 $0xFFFF5000  }
0x11a: {  	[hbm4b:s14+s2] =	stream.linear.scatter [tilespmem:s6], [sflag:$0x3], $0xB000, $0x38;
	[tilespmem:$0x16100] =	vst v63  }
0x11b: {  	s6 =	simm.s32 $0x4  }
0x11c: {  	_ =	swait.ge [sflag:s6], $0xB000  }
0x11d: {  	[sflag:s6] =	ssyncset.done $0x0  }
0x11e: {  	s30 =	sadd.s32 s9, s21;
	[sflag:s6] =	ssyncadd.s32 $0xFFFF5000  }
0x11f: {  	[tilespmem:s11], [sflag:$0x2] =	stream.linear.gather [hbm4b:s30+s2], $0xB000, $0x38;
	[tilespmem:$0x16100] =	vst v63  }
0x120: {  	_ =	swait.ge [sflag:s7], $0xB000  }
0x121: {  	[sflag:s7] =	ssyncset.done $0x0  }
0x122: {  	s1 =	rddreg [dreg:$0x12];
	[sflag:s7] =	ssyncadd.s32 $0xFFFF5000  }
0x123: {  	[hbm4b:s1+s2] =	stream.linear.scatter [tilespmem:s11], [sflag:$0x4], $0xB000, $0x38;
	[tilespmem:$0x16100] =	vst v63  }
0x124: {  	s1 =	smov.u32 s16;
	_ =	swait.ge [sflag:s8], $0xB000  }
0x125: {  	s1 =	smov.u32 @p2 s5;
	s3 =	rddreg [dreg:$0x13];
	[sflag:s8] =	ssyncset.done $0x0  }
0x126: {  	s11 =	simm.s32 $0x100;
	[sflag:s8] =	ssyncadd.s32 $0xFFFF5000;
	s0 =	sadd.s32 s1, s3  }
0x127: {  	[tilespmem:s11], [sflag:$0x1] =	stream.linear.gather [hbm4b:s0+s2], $0xB000, $0x38;
	[tilespmem:$0x16100] =	vst v63  }
0x128: {  	_ =	swait.ge [sflag:s13], $0xB000  }
0x129: {  	[sflag:s13] =	ssyncset.done $0x0  }
0x12a: {  	s4 =	rddreg [dreg:$0x14];
	[sflag:s13] =	ssyncadd.s32 $0xFFFF5000  }
0x12b: {  	[hbm4b:s4+s2] =	stream.linear.scatter [tilespmem:s11], [sflag:$0x3], $0xB000, $0x38;
	[tilespmem:$0x16100] =	vst v63  }
0x12c: {  	_ =	swait.ge [sflag:s6], $0xB000  }
0x12d: {  	s9 =	sadd.s32 s20, s31;
	[sflag:s6] =	ssyncset.done $0x0  }
0x12e: {  	s3 =	simm.s32 $0xB100;
	s31 =	rddreg [dreg:$0x19];
	[sflag:s6] =	ssyncadd.s32 $0xFFFF5000  }
0x12f: {  	[tilespmem:s3], [sflag:$0x2] =	stream.linear.gather [hbm4b:s9+s2], $0xB000, $0x38;
	[tilespmem:$0x16100] =	vst v63  }
0x130: {  	s14 =	rddreg [dreg:$0x18];
	_ =	swait.ge [sflag:s7], $0xB000  }
0x131: {  	[sflag:s7] =	ssyncset.done $0x0  }
0x132: {  	s10 =	rddreg [dreg:$0x15];
	[sflag:s7] =	ssyncadd.s32 $0xFFFF5000  }
0x133: {  	[hbm4b:s10+s2] =	stream.linear.scatter [tilespmem:s3], [sflag:$0x4], $0xB000, $0x38;
	[tilespmem:$0x16100] =	vst v63  }
0x134: {  	_ =	swait.ge [sflag:s8], $0xB000  }
0x135: {  	[sflag:s8] =	ssyncset.done $0x0  }
0x136: {  	s12 =	sadd.s32 s17, s19;
	[sflag:s8] =	ssyncadd.s32 $0xFFFF5000  }
0x137: {  	[tilespmem:s11], [sflag:$0x1] =	stream.linear.gather [hbm4b:s12+s2], $0xB000, $0x38;
	[tilespmem:$0x16100] =	vst v63  }
0x138: {  	_ =	swait.ge [sflag:s13], $0xB000  }
0x139: {  	[sflag:s13] =	ssyncset.done $0x0  }
0x13a: {  	s17 =	rddreg [dreg:$0x16];
	[sflag:s13] =	ssyncadd.s32 $0xFFFF5000  }
0x13b: {  	[hbm4b:s17+s2] =	stream.linear.scatter [tilespmem:s11], [sflag:$0x3], $0xB000, $0x38;
	[tilespmem:$0x16100] =	vst v63  }
0x13c: {  	s29 =	smov.u32 s16;
	_ =	swait.ge [sflag:s6], $0xB000  }
0x13d: {  	s29 =	smov.u32 @p5 s5;
	[sflag:s6] =	ssyncset.done $0x0  }
0x13e: {  	s29 =	sadd.s32 s29, s18;
	[sflag:s6] =	ssyncadd.s32 $0xFFFF5000  }
0x13f: {  	[tilespmem:s3], [sflag:$0x2] =	stream.linear.gather [hbm4b:s29+s2], $0xB000, $0x38;
	[tilespmem:$0x16100] =	vst v63  }
0x140: {  	_ =	swait.ge [sflag:s7], $0xB000  }
0x141: {  	[sflag:s7] =	ssyncset.done $0x0  }
0x142: {  	p1 =	sne.s32 s28, $0x1;
	s30 =	rddreg [dreg:$0x17];
	[sflag:s7] =	ssyncadd.s32 $0xFFFF5000  }
0x143: {  	[hbm4b:s30+s2] =	stream.linear.scatter [tilespmem:s3], [sflag:$0x4], $0xB000, $0x38;
	[tilespmem:$0x16100] =	vst v63  }
.Ltmp2:
0x144: {  	_ =	swait.ge [sflag:s8], $0xB000;
	(pc) =	sbr.rel @p1 .LBB2_3-.Ltmp2, $4  }
0x145: {  	[sflag:s8] =	ssyncset.done $0x0  }
0x146: {  	[sflag:s8] =	ssyncadd.s32 $0xFFFF5000  }
0x147: {  	_ =	swait.ge [sflag:s6], $0xB000  }
0x148: {  	s28 =	sadd.s32 $0xFFFFFFFF, s28;
	s0 =	rddreg [dreg:$0x3];
	[sflag:s6] =	ssyncset.done $0x0  }
0x149: {  	s17 =	rddreg [dreg:$0x2]  }
0x14a: {  	s29 =	rddreg [dreg:$0x1b]  }
0x14b: {  	s30 =	rddreg [dreg:$0x1c]  }
0x14c: {  	s12 =	stileid.u32;
	s10 =	rddreg [dreg:$0x1a];
	s1 =	simm.s32 $0x5  }
.LBB2_5:
0x14d: {  	[sflag:s6] =	ssyncadd.s32 @p0 $0xFFFF5000  }
0x14e: {  	[tilespmem:s2], [sflag:$0x5] =	stream.linear.gather [hbm4b:s0+s2], $0x80, $0x38;
	[tilespmem:$0x16100] =	vst v63  }
0x14f: {  	_ =	swait.ge [sflag:s1], $0x80  }
0x150: {  	[sflag:s1] =	ssyncset.done $0x0  }
0x151: {  	[sflag:s1] =	ssyncadd.s32 $0xFFFFFF80  }
0x152: {  	v0 =	vld [tilespmem:s10+$0x0];
	_ =	sdelay $0x4  }
0x153: {  	(v2sf) =	vpush v0, $0x0;
	_ =	sdelay $0x8  }
0x154: {  	(v2sf) =	vpush v0, $0x1;
	_ =	sdelay $0x1  }
0x155: {  	(v2sf) =	vpush v0, $0x2;
	_ =	sdelay $0x3  }
0x156: {  	s9 =	spop (v2sf)  }
0x157: {  	s1 =	smov.u32 s16;
	(v2sf) =	vpush v0, $0x3;
	p0 =	seq.s32 s9, $0x0  }
0x158: {  	s28 =	rddreg [dreg:$0x4];
	s1 =	smov.u32 @p0 s5  }
0x159: {  	s0 =	sadd.s32 s1, s28  }
0x15a: {  	[tilespmem:s11], [sflag:$0x1] =	stream.linear.gather [hbm4b:s0+s2], $0xB000, $0x38;
	[tilespmem:$0x16100] =	vst v63  }
0x15b: {  	_ =	swait.ge [sflag:s13], $0xB000  }
0x15c: {  	p0 =	seq.s32 s9, $0x1;
	s0 =	smov.u32 s14;
	[sflag:s13] =	ssyncset.done $0x0  }
0x15d: {  	s0 =	smov.u32 @p0 s15;
	s4 =	rddreg [dreg:$0x5];
	[sflag:s13] =	ssyncadd.s32 $0xFFFF5000  }
0x15e: {  	[hbm4b:s4+s2] =	stream.linear.scatter [tilespmem:s11], [sflag:$0x3], $0xB000, $0x38;
	[tilespmem:$0x16100] =	vst v63  }
0x15f: {  	s0 =	sadd.s32 s31, s0;
	s4 =	spop (v2sf)  }
0x160: {  	[tilespmem:s3], [sflag:$0x2] =	stream.linear.gather [hbm4b:s0+s2], $0xB000, $0x38;
	[tilespmem:$0x16100] =	vst v63  }
0x161: {  	s0 =	spop (v2sf)  }
0x162: {  	_ =	swait.ge [sflag:s7], $0xB000  }
0x163: {  	[sflag:s7] =	ssyncset.done $0x0  }
0x164: {  	s10 =	rddreg [dreg:$0x6];
	[sflag:s7] =	ssyncadd.s32 $0xFFFF5000  }
0x165: {  	[hbm4b:s10+s2] =	stream.linear.scatter [tilespmem:s3], [sflag:$0x4], $0xB000, $0x38;
	[tilespmem:$0x16100] =	vst v63  }
0x166: {  	s1 =	spop (v2sf)  }
0x167: {  	p0 =	seq.s32 s9, $0x2;
	s10 =	smov.u32 s16;
	_ =	swait.ge [sflag:s8], $0xB000  }
0x168: {  	s10 =	smov.u32 @p0 s5;
	[sflag:s8] =	ssyncset.done $0x0  }
0x169: {  	s10 =	sadd.s32 s10, s30;
	[sflag:s8] =	ssyncadd.s32 $0xFFFF5000  }
0x16a: {  	[tilespmem:s11], [sflag:$0x1] =	stream.linear.gather [hbm4b:s10+s2], $0xB000, $0x38;
	[tilespmem:$0x16100] =	vst v63  }
0x16b: {  	_ =	swait.ge [sflag:s13], $0xB000  }
0x16c: {  	[sflag:s13] =	ssyncset.done $0x0  }
0x16d: {  	s28 =	rddreg [dreg:$0x7];
	[sflag:s13] =	ssyncadd.s32 $0xFFFF5000  }
0x16e: {  	[hbm4b:s28+s2] =	stream.linear.scatter [tilespmem:s11], [sflag:$0x3], $0xB000, $0x38;
	[tilespmem:$0x16100] =	vst v63  }
0x16f: {  	p0 =	seq.s32 s9, $0x3;
	s9 =	smov.u32 s16;
	_ =	swait.ge [sflag:s6], $0xB000  }
0x170: {  	s9 =	smov.u32 @p0 s5;
	[sflag:s6] =	ssyncset.done $0x0  }
0x171: {  	s9 =	sadd.s32 s9, s29;
	[sflag:s6] =	ssyncadd.s32 $0xFFFF5000  }
0x172: {  	[tilespmem:s3], [sflag:$0x2] =	stream.linear.gather [hbm4b:s9+s2], $0xB000, $0x38;
	[tilespmem:$0x16100] =	vst v63  }
0x173: {  	_ =	swait.ge [sflag:s7], $0xB000  }
0x174: {  	[sflag:s7] =	ssyncset.done $0x0  }
0x175: {  	s30 =	rddreg [dreg:$0x8];
	[sflag:s7] =	ssyncadd.s32 $0xFFFF5000  }
0x176: {  	[hbm4b:s30+s2] =	stream.linear.scatter [tilespmem:s3], [sflag:$0x4], $0xB000, $0x38;
	[tilespmem:$0x16100] =	vst v63  }
0x177: {  	p0 =	seq.s32 s4, $0x0;
	s10 =	smov.u32 s16;
	_ =	swait.ge [sflag:s8], $0xB000  }
0x178: {  	s10 =	smov.u32 @p0 s5;
	s31 =	rddreg [dreg:$0x9];
	[sflag:s8] =	ssyncset.done $0x0  }
0x179: {  	s9 =	sadd.s32 s10, s31;
	[sflag:s8] =	ssyncadd.s32 $0xFFFF5000  }
0x17a: {  	[tilespmem:s11], [sflag:$0x1] =	stream.linear.gather [hbm4b:s9+s2], $0xB000, $0x38;
	[tilespmem:$0x16100] =	vst v63  }
0x17b: {  	_ =	swait.ge [sflag:s13], $0xB000  }
0x17c: {  	[sflag:s13] =	ssyncset.done $0x0  }
0x17d: {  	s10 =	rddreg [dreg:$0xa];
	[sflag:s13] =	ssyncadd.s32 $0xFFFF5000  }
0x17e: {  	[hbm4b:s10+s2] =	stream.linear.scatter [tilespmem:s11], [sflag:$0x3], $0xB000, $0x38;
	[tilespmem:$0x16100] =	vst v63  }
0x17f: {  	p0 =	seq.s32 s4, $0x1;
	s9 =	smov.u32 s16;
	_ =	swait.ge [sflag:s6], $0xB000  }
0x180: {  	s9 =	smov.u32 @p0 s5;
	[sflag:s6] =	ssyncset.done $0x0  }
0x181: {  	s9 =	sadd.s32 s9, s26;
	[sflag:s6] =	ssyncadd.s32 $0xFFFF5000  }
0x182: {  	[tilespmem:s3], [sflag:$0x2] =	stream.linear.gather [hbm4b:s9+s2], $0xB000, $0x38;
	[tilespmem:$0x16100] =	vst v63  }
0x183: {  	_ =	swait.ge [sflag:s7], $0xB000  }
0x184: {  	[sflag:s7] =	ssyncset.done $0x0  }
0x185: {  	s26 =	rddreg [dreg:$0xb];
	[sflag:s7] =	ssyncadd.s32 $0xFFFF5000  }
0x186: {  	[hbm4b:s26+s2] =	stream.linear.scatter [tilespmem:s3], [sflag:$0x4], $0xB000, $0x38;
	[tilespmem:$0x16100] =	vst v63  }
0x187: {  	p0 =	seq.s32 s4, $0x2;
	s9 =	smov.u32 s16;
	_ =	swait.ge [sflag:s8], $0xB000  }
0x188: {  	s9 =	smov.u32 @p0 s5;
	[sflag:s8] =	ssyncset.done $0x0  }
0x189: {  	s9 =	sadd.s32 s9, s25;
	[sflag:s8] =	ssyncadd.s32 $0xFFFF5000  }
0x18a: {  	[tilespmem:s11], [sflag:$0x1] =	stream.linear.gather [hbm4b:s9+s2], $0xB000, $0x38;
	[tilespmem:$0x16100] =	vst v63  }
0x18b: {  	_ =	swait.ge [sflag:s13], $0xB000  }
0x18c: {  	[sflag:s13] =	ssyncset.done $0x0  }
0x18d: {  	s28 =	rddreg [dreg:$0xc];
	[sflag:s13] =	ssyncadd.s32 $0xFFFF5000  }
0x18e: {  	[hbm4b:s28+s2] =	stream.linear.scatter [tilespmem:s11], [sflag:$0x3], $0xB000, $0x38;
	[tilespmem:$0x16100] =	vst v63  }
0x18f: {  	p0 =	seq.s32 s4, $0x3;
	s4 =	smov.u32 s16;
	_ =	swait.ge [sflag:s6], $0xB000  }
0x190: {  	s4 =	smov.u32 @p0 s5;
	[sflag:s6] =	ssyncset.done $0x0  }
0x191: {  	s4 =	sadd.s32 s4, s24;
	[sflag:s6] =	ssyncadd.s32 $0xFFFF5000  }
0x192: {  	[tilespmem:s3], [sflag:$0x2] =	stream.linear.gather [hbm4b:s4+s2], $0xB000, $0x38;
	[tilespmem:$0x16100] =	vst v63  }
0x193: {  	_ =	swait.ge [sflag:s7], $0xB000  }
0x194: {  	[sflag:s7] =	ssyncset.done $0x0  }
0x195: {  	s29 =	rddreg [dreg:$0xd];
	[sflag:s7] =	ssyncadd.s32 $0xFFFF5000  }
0x196: {  	[hbm4b:s29+s2] =	stream.linear.scatter [tilespmem:s3], [sflag:$0x4], $0xB000, $0x38;
	[tilespmem:$0x16100] =	vst v63  }
0x197: {  	p0 =	seq.s32 s0, $0x0;
	s9 =	smov.u32 s16;
	_ =	swait.ge [sflag:s8], $0xB000  }
0x198: {  	s9 =	smov.u32 @p0 s5;
	s30 =	rddreg [dreg:$0xe];
	[sflag:s8] =	ssyncset.done $0x0  }
0x199: {  	s4 =	sadd.s32 s9, s30;
	[sflag:s8] =	ssyncadd.s32 $0xFFFF5000  }
0x19a: {  	[tilespmem:s11], [sflag:$0x1] =	stream.linear.gather [hbm4b:s4+s2], $0xB000, $0x38;
	[tilespmem:$0x16100] =	vst v63  }
0x19b: {  	_ =	swait.ge [sflag:s13], $0xB000  }
0x19c: {  	[sflag:s13] =	ssyncset.done $0x0  }
0x19d: {  	s31 =	rddreg [dreg:$0xf];
	[sflag:s13] =	ssyncadd.s32 $0xFFFF5000  }
0x19e: {  	[hbm4b:s31+s2] =	stream.linear.scatter [tilespmem:s11], [sflag:$0x3], $0xB000, $0x38;
	[tilespmem:$0x16100] =	vst v63  }
0x19f: {  	p0 =	seq.s32 s0, $0x1;
	s4 =	smov.u32 s16;
	_ =	swait.ge [sflag:s6], $0xB000  }
0x1a0: {  	s4 =	smov.u32 @p0 s5;
	[sflag:s6] =	ssyncset.done $0x0  }
0x1a1: {  	s4 =	sadd.s32 s4, s23;
	[sflag:s6] =	ssyncadd.s32 $0xFFFF5000  }
0x1a2: {  	[tilespmem:s3], [sflag:$0x2] =	stream.linear.gather [hbm4b:s4+s2], $0xB000, $0x38;
	[tilespmem:$0x16100] =	vst v63  }
0x1a3: {  	_ =	swait.ge [sflag:s7], $0xB000  }
0x1a4: {  	[sflag:s7] =	ssyncset.done $0x0  }
0x1a5: {  	s9 =	rddreg [dreg:$0x10];
	[sflag:s7] =	ssyncadd.s32 $0xFFFF5000  }
0x1a6: {  	[hbm4b:s9+s2] =	stream.linear.scatter [tilespmem:s3], [sflag:$0x4], $0xB000, $0x38;
	[tilespmem:$0x16100] =	vst v63  }
0x1a7: {  	p0 =	seq.s32 s0, $0x2;
	s4 =	smov.u32 s16;
	_ =	swait.ge [sflag:s8], $0xB000  }
0x1a8: {  	s4 =	smov.u32 @p0 s5;
	[sflag:s8] =	ssyncset.done $0x0  }
0x1a9: {  	s4 =	sadd.s32 s4, s22;
	[sflag:s8] =	ssyncadd.s32 $0xFFFF5000  }
0x1aa: {  	[tilespmem:s11], [sflag:$0x1] =	stream.linear.gather [hbm4b:s4+s2], $0xB000, $0x38;
	[tilespmem:$0x16100] =	vst v63  }
0x1ab: {  	_ =	swait.ge [sflag:s13], $0xB000  }
0x1ac: {  	[sflag:s13] =	ssyncset.done $0x0  }
0x1ad: {  	s10 =	rddreg [dreg:$0x11];
	[sflag:s13] =	ssyncadd.s32 $0xFFFF5000  }
0x1ae: {  	[hbm4b:s10+s2] =	stream.linear.scatter [tilespmem:s11], [sflag:$0x3], $0xB000, $0x38;
	[tilespmem:$0x16100] =	vst v63  }
0x1af: {  	p0 =	seq.s32 s0, $0x3;
	s0 =	smov.u32 s16;
	_ =	swait.ge [sflag:s6], $0xB000  }
0x1b0: {  	s0 =	smov.u32 @p0 s5;
	[sflag:s6] =	ssyncset.done $0x0  }
0x1b1: {  	s0 =	sadd.s32 s0, s21;
	[sflag:s6] =	ssyncadd.s32 $0xFFFF5000  }
0x1b2: {  	[tilespmem:s3], [sflag:$0x2] =	stream.linear.gather [hbm4b:s0+s2], $0xB000, $0x38;
	[tilespmem:$0x16100] =	vst v63  }
0x1b3: {  	_ =	swait.ge [sflag:s7], $0xB000  }
0x1b4: {  	[sflag:s7] =	ssyncset.done $0x0  }
0x1b5: {  	p0 =	seq.s32 s1, $0x0;
	s22 =	rddreg [dreg:$0x12];
	[sflag:s7] =	ssyncadd.s32 $0xFFFF5000  }
0x1b6: {  	[hbm4b:s22+s2] =	stream.linear.scatter [tilespmem:s3], [sflag:$0x4], $0xB000, $0x38;
	[tilespmem:$0x16100] =	vst v63  }
0x1b7: {  	s9 =	smov.u32 s16;
	s4 =	smov.u32 s16;
	_ =	swait.ge [sflag:s8], $0xB000  }
0x1b8: {  	s16 =	smov.u32 @p0 s5;
	s23 =	rddreg [dreg:$0x13];
	[sflag:s8] =	ssyncset.done $0x0  }
0x1b9: {  	s0 =	sadd.s32 s16, s23;
	[sflag:s8] =	ssyncadd.s32 $0xFFFF5000  }
0x1ba: {  	[tilespmem:s11], [sflag:$0x1] =	stream.linear.gather [hbm4b:s0+s2], $0xB000, $0x38;
	[tilespmem:$0x16100] =	vst v63  }
0x1bb: {  	_ =	swait.ge [sflag:s13], $0xB000  }
0x1bc: {  	[sflag:s13] =	ssyncset.done $0x0  }
0x1bd: {  	s24 =	rddreg [dreg:$0x14];
	[sflag:s13] =	ssyncadd.s32 $0xFFFF5000  }
0x1be: {  	[hbm4b:s24+s2] =	stream.linear.scatter [tilespmem:s11], [sflag:$0x3], $0xB000, $0x38;
	[tilespmem:$0x16100] =	vst v63  }
0x1bf: {  	p0 =	seq.s32 s1, $0x1;
	_ =	swait.ge [sflag:s6], $0xB000  }
0x1c0: {  	s14 =	smov.u32 @p0 s15;
	[sflag:s6] =	ssyncset.done $0x0  }
0x1c1: {  	s25 =	sadd.s32 s20, s14;
	[sflag:s6] =	ssyncadd.s32 $0xFFFF5000  }
0x1c2: {  	[tilespmem:s3], [sflag:$0x2] =	stream.linear.gather [hbm4b:s25+s2], $0xB000, $0x38;
	[tilespmem:$0x16100] =	vst v63  }
0x1c3: {  	_ =	swait.ge [sflag:s7], $0xB000  }
0x1c4: {  	[sflag:s7] =	ssyncset.done $0x0  }
0x1c5: {  	s26 =	rddreg [dreg:$0x15];
	[sflag:s7] =	ssyncadd.s32 $0xFFFF5000  }
0x1c6: {  	[hbm4b:s26+s2] =	stream.linear.scatter [tilespmem:s3], [sflag:$0x4], $0xB000, $0x38;
	[tilespmem:$0x16100] =	vst v63  }
0x1c7: {  	p0 =	seq.s32 s1, $0x2;
	_ =	swait.ge [sflag:s8], $0xB000  }
0x1c8: {  	s4 =	smov.u32 @p0 s5;
	[sflag:s8] =	ssyncset.done $0x0  }
0x1c9: {  	s28 =	sadd.s32 s4, s19;
	[sflag:s8] =	ssyncadd.s32 $0xFFFF5000  }
0x1ca: {  	[tilespmem:s11], [sflag:$0x1] =	stream.linear.gather [hbm4b:s28+s2], $0xB000, $0x38;
	[tilespmem:$0x16100] =	vst v63  }
0x1cb: {  	_ =	swait.ge [sflag:s13], $0xB000  }
0x1cc: {  	[sflag:s13] =	ssyncset.done $0x0  }
0x1cd: {  	s29 =	rddreg [dreg:$0x16];
	[sflag:s13] =	ssyncadd.s32 $0xFFFF5000  }
0x1ce: {  	[hbm4b:s29+s2] =	stream.linear.scatter [tilespmem:s11], [sflag:$0x3], $0xB000, $0x38;
	[tilespmem:$0x16100] =	vst v63  }
0x1cf: {  	p0 =	seq.s32 s1, $0x3;
	_ =	swait.ge [sflag:s6], $0xB000  }
0x1d0: {  	s9 =	smov.u32 @p0 s5;
	[sflag:s6] =	ssyncset.done $0x0  }
0x1d1: {  	s30 =	sadd.s32 s9, s18;
	[sflag:s6] =	ssyncadd.s32 $0xFFFF5000  }
0x1d2: {  	[tilespmem:s3], [sflag:$0x2] =	stream.linear.gather [hbm4b:s30+s2], $0xB000, $0x38;
	[tilespmem:$0x16100] =	vst v63  }
0x1d3: {  	_ =	swait.ge [sflag:s7], $0xB000  }
0x1d4: {  	[sflag:s7] =	ssyncset.done $0x0  }
0x1d5: {  	s31 =	rddreg [dreg:$0x17];
	[sflag:s7] =	ssyncadd.s32 $0xFFFF5000  }
0x1d6: {  	[hbm4b:s31+s2] =	stream.linear.scatter [tilespmem:s3], [sflag:$0x4], $0xB000, $0x38;
	[tilespmem:$0x16100] =	vst v63  }
0x1d7: {  	_ =	swait.ge [sflag:s8], $0xB000  }
0x1d8: {  	[sflag:s8] =	ssyncset.done $0x0  }
0x1d9: {  	[sflag:s8] =	ssyncadd.s32 $0xFFFF5000  }
0x1da: {  	_ =	swait.ge [sflag:s6], $0xB000  }
0x1db: {  	[sflag:s6] =	ssyncset.done $0x0  }
0x1dc: {  	[sflag:s6] =	ssyncadd.s32 $0xFFFF5000  }
0x1dd: {  	_ =	sfence.sel $0x180000  }
0x1de: {  	[bflag:$0x0] =	sbarrier.arrive $0xFFFF  }
0x1df: {  	p0 =	sne.s32 s12, $0x0;
	_ =	strace $0x90000047  }
0x1e0: {  	s0 =	sadd.s32 @!p0 $0x100000, s17;
	[bflag:$0x2] =	sbarrier.arrive $0xFFFF  }
0x1e1: {  	[sflag:s0] =	ssyncadd.tile.s32 @!p0 $0x1;
	_ =	shalt  }
.LBB2_2:
.Ltmp3:
0x1e2: {  	(pc) =	sbr.rel .LBB2_5-.Ltmp3, $4  }
0x1e3: {  	s17 =	rddreg [dreg:$0x2]  }
0x1e4: {  	s29 =	rddreg [dreg:$0x1b]  }
0x1e5: {  	s30 =	rddreg [dreg:$0x1c]  }
0x1e6: {  	s12 =	stileid.u32;
	s10 =	rddreg [dreg:$0x1a];
	s1 =	simm.s32 $0x5  }
.Lfunc_end2:
_tile_overlayer_lowered:
.L_overlay_start_2:
0x1e7: {  	(tag) =	ssettag $0x2  }
0x1e8: {  	s0 =	rddreg [dreg:$0x0];
	s2 =	stileid.u32  }
0x1e9: {  	s1 =	rddreg [dreg:$0x1];
	p0 =	sne.s32 s2, $0x0  }
0x1ea: {  	s3 =	rddreg [dreg:$0x2];
	[bflag:$0x3] =	sbarrier.arrive $0xFFFF;
	s2 =	simm.s32 @!p0 $0x1C05  }
0x1eb: {  	[timem:s3], [sflag:s2] =	dma.local @!p0 [hbm:s0], s1  }
0x1ec: {  	s0 =	simm.s32 @!p0 $0x5  }
0x1ed: {  	_ =	swait.ge @!p0 [sflag:s0], s1  }
0x1ee: {  	s1 =	ssub.s32 @!p0 $0x0, s1;
	[sflag:s0] =	ssyncset.done @!p0 $0x0  }
0x1ef: {  	[sflag:s0] =	ssyncadd.s32 @!p0 s1  }
0x1f0: {  	[bflag:$0x3] =	sbarrier.arrive $0xFFFF  }
0x1f1: {  	_ =	shalt  }

</sc_bundles>
